<compile_context>
chip_gen: v7x
topology: tpu7x:2x2x1
jax: 0.10.2.dev20260603
libtpu: 0.0.44.dev20260713+nightly
codegen_flags: <defaults>
</compile_context>

<pallas_src>
import functools

import jax
import jax.numpy as jnp
from jax import lax
from jax.experimental import pallas as pl
from jax.experimental.pallas import tpu as pltpu
from jax.experimental.pallas import tpu_sc as plsc

NC = 2
NS = 16
CHUNK = 128


def _segsum(x, src_p, dst_p, npad):
    n, d = x.shape
    epad = src_p.shape[0]
    ch = epad // (NC * NS * CHUNK)
    rps = npad // NS
    kc = rps // CHUNK

    mesh = plsc.VectorSubcoreMesh(core_axis_name="c", subcore_axis_name="s")

    @functools.partial(
        pl.kernel,
        out_type=jax.ShapeDtypeStruct((NC * npad, d), jnp.float32),
        mesh=mesh,
        scratch_types=[
            pltpu.VMEM_SHARED((npad, d), jnp.float32),
            pltpu.VMEM((CHUNK,), jnp.int32),
            pltpu.VMEM((CHUNK,), jnp.int32),
            pltpu.VMEM((CHUNK,), jnp.int32),
            pltpu.VMEM((CHUNK,), jnp.int32),
            pltpu.VMEM((CHUNK, d), jnp.float32),
            pltpu.VMEM((CHUNK, d), jnp.float32),
            pltpu.SemaphoreType.DMA,
            pltpu.SemaphoreType.DMA,
        ],
    )
    def seg(x_hbm, src_hbm, dst_hbm, p_hbm,
            acc, isrc_a, idst_a, isrc_b, idst_b, rows_a, rows_b,
            sem_a, sem_b):
        cid = lax.axis_index("c")
        sid = lax.axis_index("s")

        def fill_body(i, carry):
            for j in range(d // 16):
                rows_a[i, pl.ds(j * 16, 16)] = jnp.zeros((16,), jnp.float32)
            return carry
        lax.fori_loop(0, CHUNK, fill_body, 0)

        for k in range(kc):
            pltpu.sync_copy(rows_a, acc.at[pl.ds(sid * rps + k * CHUNK, CHUNK)])
        plsc.subcore_barrier()

        wid = cid * NS + sid
        ebase = wid * ch * CHUNK

        def pair_body(i, carry):
            b = ebase + 2 * i * CHUNK
            pltpu.sync_copy(src_hbm.at[pl.ds(b, CHUNK)], isrc_a)
            pltpu.sync_copy(dst_hbm.at[pl.ds(b, CHUNK)], idst_a)
            cp_a = pltpu.async_copy(x_hbm.at[isrc_a], rows_a, sem_a)
            pltpu.sync_copy(src_hbm.at[pl.ds(b + CHUNK, CHUNK)], isrc_b)
            pltpu.sync_copy(dst_hbm.at[pl.ds(b + CHUNK, CHUNK)], idst_b)
            cp_b = pltpu.async_copy(x_hbm.at[isrc_b], rows_b, sem_b)
            cp_a.wait()
            pltpu.sync_copy(rows_a, acc.at[idst_a], add=True)
            cp_b.wait()
            pltpu.sync_copy(rows_b, acc.at[idst_b], add=True)
            return carry
        lax.fori_loop(0, ch // 2, pair_body, 0)

        if ch % 2:
            b = ebase + (ch - 1) * CHUNK
            pltpu.sync_copy(src_hbm.at[pl.ds(b, CHUNK)], isrc_a)
            pltpu.sync_copy(dst_hbm.at[pl.ds(b, CHUNK)], idst_a)
            pltpu.async_copy(x_hbm.at[isrc_a], rows_a, sem_a).wait()
            pltpu.sync_copy(rows_a, acc.at[idst_a], add=True)

        plsc.subcore_barrier()
        off = sid * rps
        pltpu.sync_copy(acc.at[pl.ds(off, rps)],
                        p_hbm.at[pl.ds(cid * npad + off, rps)])

    return seg(x, src_p, dst_p).reshape(NC, npad, d)


def _degsum(dst_p, npad, d):
    epad = dst_p.shape[0]
    ch = epad // (NC * NS * CHUNK)
    rps = npad // NS
    kc = rps // CHUNK

    mesh = plsc.VectorSubcoreMesh(core_axis_name="c", subcore_axis_name="s")

    @functools.partial(
        pl.kernel,
        out_type=jax.ShapeDtypeStruct((NC * npad, d), jnp.float32),
        mesh=mesh,
        scratch_types=[
            pltpu.VMEM_SHARED((npad, d), jnp.float32),
            pltpu.VMEM((CHUNK,), jnp.int32),
            pltpu.VMEM((CHUNK,), jnp.int32),
            pltpu.VMEM((CHUNK, d), jnp.float32),
        ],
    )
    def deg(dst_hbm, g_hbm, dacc, idst, idst_b, ones):
        cid = lax.axis_index("c")
        sid = lax.axis_index("s")

        def fill_body(i, carry):
            for j in range(d // 16):
                ones[i, pl.ds(j * 16, 16)] = jnp.zeros((16,), jnp.float32)
            return carry
        lax.fori_loop(0, CHUNK, fill_body, 0)

        for k in range(kc):
            pltpu.sync_copy(ones, dacc.at[pl.ds(sid * rps + k * CHUNK, CHUNK)])

        def ones_body(i, carry):
            for j in range(d // 16):
                ones[i, pl.ds(j * 16, 16)] = jnp.ones((16,), jnp.float32)
            return carry
        lax.fori_loop(0, CHUNK, ones_body, 0)
        plsc.subcore_barrier()

        wid = cid * NS + sid
        ebase = wid * ch * CHUNK

        def pair_body(i, carry):
            b = ebase + 2 * i * CHUNK
            pltpu.sync_copy(dst_hbm.at[pl.ds(b, CHUNK)], idst)
            pltpu.sync_copy(dst_hbm.at[pl.ds(b + CHUNK, CHUNK)], idst_b)
            pltpu.sync_copy(ones, dacc.at[idst], add=True)
            pltpu.sync_copy(ones, dacc.at[idst_b], add=True)
            return carry
        lax.fori_loop(0, ch // 2, pair_body, 0)

        if ch % 2:
            b = ebase + (ch - 1) * CHUNK
            pltpu.sync_copy(dst_hbm.at[pl.ds(b, CHUNK)], idst)
            pltpu.sync_copy(ones, dacc.at[idst], add=True)

        plsc.subcore_barrier()
        off = sid * rps
        pltpu.sync_copy(dacc.at[pl.ds(off, rps)],
                        g_hbm.at[pl.ds(cid * npad + off, rps)])

    return deg(dst_p).reshape(NC, npad, d)


def _combine(x, P, G, Ws, Wn, b2d, relu):
    n, d = x.shape
    blk = 400
    grid = n // blk

    def body(x_ref, p_ref, g_ref, ws_ref, wn_ref, b_ref, o_ref):
        deg = g_ref[0, :, 0:1] + g_ref[1, :, 0:1]
        hn = (p_ref[0] + p_ref[1]) / jnp.maximum(deg, 1.0)
        r = (jnp.dot(x_ref[...], ws_ref[...],
                     preferred_element_type=jnp.float32)
             + jnp.dot(hn, wn_ref[...], preferred_element_type=jnp.float32)
             + b_ref[...])
        o_ref[...] = jnp.maximum(r, 0.0) if relu else r

    return pl.pallas_call(
        body,
        grid=(grid,),
        in_specs=[
            pl.BlockSpec((blk, d), lambda i: (i, 0)),
            pl.BlockSpec((NC, blk, d), lambda i: (0, i, 0)),
            pl.BlockSpec((NC, blk, d), lambda i: (0, i, 0)),
            pl.BlockSpec((d, d), lambda i: (0, 0)),
            pl.BlockSpec((d, d), lambda i: (0, 0)),
            pl.BlockSpec((1, d), lambda i: (0, 0)),
        ],
        out_specs=pl.BlockSpec((blk, d), lambda i: (i, 0)),
        out_shape=jax.ShapeDtypeStruct((n, d), jnp.float32),
    )(x, P, G, Ws, Wn, b2d)


def kernel(inputs, edge_index, W1_self, W1_neigh, b1, W2_self, W2_neigh, b2):
    x = inputs
    n, d = x.shape
    e = edge_index.shape[1]
    src = edge_index[0].astype(jnp.int32)
    dst = edge_index[1].astype(jnp.int32)

    estep = NC * NS * CHUNK
    epad = ((e + estep - 1) // estep) * estep
    nstep = NS * CHUNK
    npad = ((n + 1 + nstep - 1) // nstep) * nstep

    pad = epad - e
    src_p = jnp.concatenate([src, jnp.zeros((pad,), jnp.int32)])
    dst_p = jnp.concatenate([dst, jnp.full((pad,), npad - 1, jnp.int32)])

    b1_2d = b1.reshape(1, d)
    b2_2d = b2.reshape(1, d)

    G = _degsum(dst_p, npad, d)
    P1 = _segsum(x, src_p, dst_p, npad)
    h1 = _combine(x, P1, G, W1_self, W1_neigh, b1_2d, relu=True)
    P2 = _segsum(h1, src_p, dst_p, npad)
    out = _combine(h1, P2, G, W2_self, W2_neigh, b2_2d, relu=False)
    return out

# --- scband reference (transcript-rebuilt; emitter-appended) ---
"""Pipeline reference for scband-sage-16329465660094 (READ-ONLY COPY).

The authoritative reference and input builder live on the scoring server;
editing this copy changes nothing except your own understanding.
"""

import jax, jax.numpy as jnp
import numpy as np

N, E, D_IN, D_HID, D_OUT = 10000, 320000, 128, 128, 128


def setup_inputs(seed: int = 0) -> dict:
    key = jax.random.key(seed)
    ks = jax.random.split(key, 9)
    x = jax.random.normal(ks[0], (N, D_IN), dtype=jnp.float32)
    edge_index = jax.random.randint(ks[1], (2, E), 0, N).astype(jnp.int64)
    s_in = 1.0 / np.sqrt(D_IN)
    s_hid = 1.0 / np.sqrt(D_HID)
    W1_self = jax.random.normal(ks[2], (D_IN, D_HID), dtype=jnp.float32) * s_in
    W1_neigh = jax.random.normal(ks[3], (D_IN, D_HID), dtype=jnp.float32) * s_in
    b1 = jnp.zeros((D_HID,), dtype=jnp.float32)
    W2_self = jax.random.normal(ks[4], (D_HID, D_OUT), dtype=jnp.float32) * s_hid
    W2_neigh = jax.random.normal(ks[5], (D_HID, D_OUT), dtype=jnp.float32) * s_hid
    b2 = jnp.zeros((D_OUT,), dtype=jnp.float32)
    return {"inputs": x, "edge_index": edge_index,
            "W1_self": W1_self, "W1_neigh": W1_neigh, "b1": b1,
            "W2_self": W2_self, "W2_neigh": W2_neigh, "b2": b2}


def _sage_conv(feat, src, dst, n_nodes, W_self, W_neigh, b):
    # DGL SAGEConv with aggregator_type='mean':
    # h_neigh = mean over incoming edges of src features; rst = fc_self(h_dst) + fc_neigh(h_neigh) + bias
    msg = feat[src]  # gather, [E, d]
    summed = jax.ops.segment_sum(msg, dst, num_segments=n_nodes)  # scatter-add
    deg = jax.ops.segment_sum(jnp.ones((src.shape[0], 1), dtype=feat.dtype), dst, num_segments=n_nodes)
    h_neigh = summed / jnp.maximum(deg, 1.0)  # zero-degree nodes get 0 neighbor feature
    return feat @ W_self + h_neigh @ W_neigh + b


def reference(inputs, edge_index, W1_self, W1_neigh, b1, W2_self, W2_neigh, b2):
    src = edge_index[0]
    dst = edge_index[1]
    n_nodes = inputs.shape[0]
    h = _sage_conv(inputs, src, dst, n_nodes, W1_self, W1_neigh, b1)
    h = jax.nn.relu(h)
    h = _sage_conv(h, src, dst, n_nodes, W2_self, W2_neigh, b2)
    return h

if __name__ == "__main__":
    import jax
    _d = setup_inputs()
    print(jax.jit(kernel)(*tuple(_d.values())))

</pallas_src>

<mosaic_0001>
#map = affine_map<(d0, d1) -> (0, 0)>
#map1 = affine_map<(d0, d1) -> (0)>
module attributes {stable_mosaic.version = 14 : i64} {
  func.func @seg(%arg0: i32, %arg1: i32, %arg2: memref<10000x128xf32, #tpu.memory_space<hbm>>, %arg3: memref<323584xi32, #tpu.memory_space<hbm>>, %arg4: memref<323584xi32, #tpu.memory_space<hbm>>, %arg5: memref<20480x128xf32, #tpu.memory_space<hbm>>, %arg6: memref<10240x128xf32, #tpu.memory_space<vmem_shared>>, %arg7: memref<128xi32, #tpu.memory_space<vmem>>, %arg8: memref<128xi32, #tpu.memory_space<vmem>>, %arg9: memref<128xi32, #tpu.memory_space<vmem>>, %arg10: memref<128xi32, #tpu.memory_space<vmem>>, %arg11: memref<128x128xf32, #tpu.memory_space<vmem>>, %arg12: memref<128x128xf32, #tpu.memory_space<vmem>>, %arg13: memref<!tpu.dma_semaphore, #tpu.memory_space<semaphore_mem>>, %arg14: memref<!tpu.dma_semaphore, #tpu.memory_space<semaphore_mem>>) attributes {dimension_semantics = [#tpu.dimension_semantics<core_parallel>, #tpu.dimension_semantics<subcore_parallel>], iteration_bounds = array<i64: 2, 16>, scalar_prefetch = 0 : i64, scratch_operands = 9 : i64, tpu.core_type = #tpu.core_type<sc_vector_subcore>, window_params = [{transform_indices = #map}, {transform_indices = #map1}, {transform_indices = #map1}, {transform_indices = #map}]} {
    %scan3A = arith.constant 0 : i32
    %scan3A_0 = arith.constant 0 : i32
    %scan3A_1 = arith.constant 128 : i32
    %scan3A_2 = arith.addi %scan3A_0, %scan3A_1 : i32
    %scan3A_3 = arith.constant 1 : i32
    scf.for %scan3A_48 = %scan3A_0 to %scan3A_2 step %scan3A_3  : i32 {
      %broadcast_in_dim3A = arith.constant 0.000000e+00 : f32
      %broadcast_in_dim3A_49 = vector.broadcast %broadcast_in_dim3A : f32 to vector<16xf32>
      %swap3A = arith.index_cast %scan3A_48 : i32 to index
      %swap3A_50 = arith.constant 0 : index
      %swap3A_51 = tpu.vector_load %arg11[%swap3A, %swap3A_50] {strides = array<i32>} : memref<128x128xf32, #tpu.memory_space<vmem>>, vector<1x16xf32>,
      %swap3A_52 = vector.shape_cast %swap3A_51 : vector<1x16xf32> to vector<16xf32>
      %swap3A_53 = vector.shape_cast %broadcast_in_dim3A_49 : vector<16xf32> to vector<1x16xf32>
      tpu.vector_store %arg11[%swap3A, %swap3A_50], %swap3A_53 {strides = array<i32>} : memref<128x128xf32, #tpu.memory_space<vmem>>, vector<1x16xf32>,
      %broadcast_in_dim3A_54 = arith.constant 0.000000e+00 : f32
      %broadcast_in_dim3A_55 = vector.broadcast %broadcast_in_dim3A_54 : f32 to vector<16xf32>
      %swap3A_56 = arith.index_cast %scan3A_48 : i32 to index
      %swap3A_57 = arith.constant 16 : index
      %swap3A_58 = tpu.vector_load %arg11[%swap3A_56, %swap3A_57] {strides = array<i32>} : memref<128x128xf32, #tpu.memory_space<vmem>>, vector<1x16xf32>,
      %swap3A_59 = vector.shape_cast %swap3A_58 : vector<1x16xf32> to vector<16xf32>
      %swap3A_60 = vector.shape_cast %broadcast_in_dim3A_55 : vector<16xf32> to vector<1x16xf32>
      tpu.vector_store %arg11[%swap3A_56, %swap3A_57], %swap3A_60 {strides = array<i32>} : memref<128x128xf32, #tpu.memory_space<vmem>>, vector<1x16xf32>,
      %broadcast_in_dim3A_61 = arith.constant 0.000000e+00 : f32
      %broadcast_in_dim3A_62 = vector.broadcast %broadcast_in_dim3A_61 : f32 to vector<16xf32>
      %swap3A_63 = arith.index_cast %scan3A_48 : i32 to index
      %swap3A_64 = arith.constant 32 : index
      %swap3A_65 = tpu.vector_load %arg11[%swap3A_63, %swap3A_64] {strides = array<i32>} : memref<128x128xf32, #tpu.memory_space<vmem>>, vector<1x16xf32>,
      %swap3A_66 = vector.shape_cast %swap3A_65 : vector<1x16xf32> to vector<16xf32>
      %swap3A_67 = vector.shape_cast %broadcast_in_dim3A_62 : vector<16xf32> to vector<1x16xf32>
      tpu.vector_store %arg11[%swap3A_63, %swap3A_64], %swap3A_67 {strides = array<i32>} : memref<128x128xf32, #tpu.memory_space<vmem>>, vector<1x16xf32>,
      %broadcast_in_dim3A_68 = arith.constant 0.000000e+00 : f32
      %broadcast_in_dim3A_69 = vector.broadcast %broadcast_in_dim3A_68 : f32 to vector<16xf32>
      %swap3A_70 = arith.index_cast %scan3A_48 : i32 to index
      %swap3A_71 = arith.constant 48 : index
      %swap3A_72 = tpu.vector_load %arg11[%swap3A_70, %swap3A_71] {strides = array<i32>} : memref<128x128xf32, #tpu.memory_space<vmem>>, vector<1x16xf32>,
      %swap3A_73 = vector.shape_cast %swap3A_72 : vector<1x16xf32> to vector<16xf32>
      %swap3A_74 = vector.shape_cast %broadcast_in_dim3A_69 : vector<16xf32> to vector<1x16xf32>
      tpu.vector_store %arg11[%swap3A_70, %swap3A_71], %swap3A_74 {strides = array<i32>} : memref<128x128xf32, #tpu.memory_space<vmem>>, vector<1x16xf32>,
      %broadcast_in_dim3A_75 = arith.constant 0.000000e+00 : f32
      %broadcast_in_dim3A_76 = vector.broadcast %broadcast_in_dim3A_75 : f32 to vector<16xf32>
      %swap3A_77 = arith.index_cast %scan3A_48 : i32 to index
      %swap3A_78 = arith.constant 64 : index
      %swap3A_79 = tpu.vector_load %arg11[%swap3A_77, %swap3A_78] {strides = array<i32>} : memref<128x128xf32, #tpu.memory_space<vmem>>, vector<1x16xf32>,
      %swap3A_80 = vector.shape_cast %swap3A_79 : vector<1x16xf32> to vector<16xf32>
      %swap3A_81 = vector.shape_cast %broadcast_in_dim3A_76 : vector<16xf32> to vector<1x16xf32>
      tpu.vector_store %arg11[%swap3A_77, %swap3A_78], %swap3A_81 {strides = array<i32>} : memref<128x128xf32, #tpu.memory_space<vmem>>, vector<1x16xf32>,
      %broadcast_in_dim3A_82 = arith.constant 0.000000e+00 : f32
      %broadcast_in_dim3A_83 = vector.broadcast %broadcast_in_dim3A_82 : f32 to vector<16xf32>
      %swap3A_84 = arith.index_cast %scan3A_48 : i32 to index
      %swap3A_85 = arith.constant 80 : index
      %swap3A_86 = tpu.vector_load %arg11[%swap3A_84, %swap3A_85] {strides = array<i32>} : memref<128x128xf32, #tpu.memory_space<vmem>>, vector<1x16xf32>,
      %swap3A_87 = vector.shape_cast %swap3A_86 : vector<1x16xf32> to vector<16xf32>
      %swap3A_88 = vector.shape_cast %broadcast_in_dim3A_83 : vector<16xf32> to vector<1x16xf32>
      tpu.vector_store %arg11[%swap3A_84, %swap3A_85], %swap3A_88 {strides = array<i32>} : memref<128x128xf32, #tpu.memory_space<vmem>>, vector<1x16xf32>,
      %broadcast_in_dim3A_89 = arith.constant 0.000000e+00 : f32
      %broadcast_in_dim3A_90 = vector.broadcast %broadcast_in_dim3A_89 : f32 to vector<16xf32>
      %swap3A_91 = arith.index_cast %scan3A_48 : i32 to index
      %swap3A_92 = arith.constant 96 : index
      %swap3A_93 = tpu.vector_load %arg11[%swap3A_91, %swap3A_92] {strides = array<i32>} : memref<128x128xf32, #tpu.memory_space<vmem>>, vector<1x16xf32>,
      %swap3A_94 = vector.shape_cast %swap3A_93 : vector<1x16xf32> to vector<16xf32>
      %swap3A_95 = vector.shape_cast %broadcast_in_dim3A_90 : vector<16xf32> to vector<1x16xf32>
      tpu.vector_store %arg11[%swap3A_91, %swap3A_92], %swap3A_95 {strides = array<i32>} : memref<128x128xf32, #tpu.memory_space<vmem>>, vector<1x16xf32>,
      %broadcast_in_dim3A_96 = arith.constant 0.000000e+00 : f32
      %broadcast_in_dim3A_97 = vector.broadcast %broadcast_in_dim3A_96 : f32 to vector<16xf32>
      %swap3A_98 = arith.index_cast %scan3A_48 : i32 to index
      %swap3A_99 = arith.constant 112 : index
      %swap3A_100 = tpu.vector_load %arg11[%swap3A_98, %swap3A_99] {strides = array<i32>} : memref<128x128xf32, #tpu.memory_space<vmem>>, vector<1x16xf32>,
      %swap3A_101 = vector.shape_cast %swap3A_100 : vector<1x16xf32> to vector<16xf32>
      %swap3A_102 = vector.shape_cast %broadcast_in_dim3A_97 : vector<16xf32> to vector<1x16xf32>
      tpu.vector_store %arg11[%swap3A_98, %swap3A_99], %swap3A_102 {strides = array<i32>} : memref<128x128xf32, #tpu.memory_space<vmem>>, vector<1x16xf32>,
    }
    %scan3A_4 = arith.constant 128 : i32
    %mul3A = arith.constant 640 : i32
    %mul3A_5 = arith.muli %arg1, %mul3A : i32
    %add3A = arith.constant 0 : i32
    %add3A_6 = arith.addi %mul3A_5, %add3A : i32
    "tpu.region"() ({
      %run_scoped3A = tpu.sem_alloc : memref<!tpu.dma_semaphore, #tpu.memory_space<semaphore_mem>>
      %dma_start3A_48 = arith.constant 0 : i32
      %dma_start3A_49 = tpu.memref_slice %arg6[%add3A_6, %dma_start3A_48] : memref<10240x128xf32, #tpu.memory_space<vmem_shared>> -> memref<128x128xf32, #tpu.memory_space<vmem_shared>>
      %dma_start3A_50 = arith.constant 0 : i32
      %dma_start3A_51 = tpu.memref_slice %arg6[%add3A_6, %dma_start3A_50] : memref<10240x128xf32, #tpu.memory_space<vmem_shared>> -> memref<128x128xf32, #tpu.memory_space<vmem_shared>>
      tpu.enqueue_dma source(%arg11 : memref<128x128xf32, #tpu.memory_space<vmem>>) target(%dma_start3A_51 : memref<128x128xf32, #tpu.memory_space<vmem_shared>>) target_semaphore(%run_scoped3A : memref<!tpu.dma_semaphore, #tpu.memory_space<semaphore_mem>>)
      %dma_wait3A_52 = arith.constant 0 : i32
      %dma_wait3A_53 = tpu.memref_slice %arg6[%add3A_6, %dma_wait3A_52] : memref<10240x128xf32, #tpu.memory_space<vmem_shared>> -> memref<128x128xf32, #tpu.memory_space<vmem_shared>>
      %dma_wait3A_54 = arith.constant 0 : i32
      %dma_wait3A_55 = tpu.memref_slice %arg6[%add3A_6, %dma_wait3A_54] : memref<10240x128xf32, #tpu.memory_space<vmem_shared>> -> memref<128x128xf32, #tpu.memory_space<vmem_shared>>
      tpu.wait_dma2 semaphore(%run_scoped3A : memref<!tpu.dma_semaphore, #tpu.memory_space<semaphore_mem>>) src(%arg11 : memref<128x128xf32, #tpu.memory_space<vmem>>) dst(%dma_wait3A_55 : memref<128x128xf32, #tpu.memory_space<vmem_shared>>)
      tpu.yield
    }) : () -> ()
    %mul3A_7 = arith.constant 640 : i32
    %mul3A_8 = arith.muli %arg1, %mul3A_7 : i32
    %add3A_9 = arith.constant 128 : i32
    %add3A_10 = arith.addi %mul3A_8, %add3A_9 : i32
    "tpu.region"() ({
      %run_scoped3A = tpu.sem_alloc : memref<!tpu.dma_semaphore, #tpu.memory_space<semaphore_mem>>
      %dma_start3A_48 = arith.constant 0 : i32
      %dma_start3A_49 = tpu.memref_slice %arg6[%add3A_10, %dma_start3A_48] : memref<10240x128xf32, #tpu.memory_space<vmem_shared>> -> memref<128x128xf32, #tpu.memory_space<vmem_shared>>
      %dma_start3A_50 = arith.constant 0 : i32
      %dma_start3A_51 = tpu.memref_slice %arg6[%add3A_10, %dma_start3A_50] : memref<10240x128xf32, #tpu.memory_space<vmem_shared>> -> memref<128x128xf32, #tpu.memory_space<vmem_shared>>
      tpu.enqueue_dma source(%arg11 : memref<128x128xf32, #tpu.memory_space<vmem>>) target(%dma_start3A_51 : memref<128x128xf32, #tpu.memory_space<vmem_shared>>) target_semaphore(%run_scoped3A : memref<!tpu.dma_semaphore, #tpu.memory_space<semaphore_mem>>)
      %dma_wait3A_52 = arith.constant 0 : i32
      %dma_wait3A_53 = tpu.memref_slice %arg6[%add3A_10, %dma_wait3A_52] : memref<10240x128xf32, #tpu.memory_space<vmem_shared>> -> memref<128x128xf32, #tpu.memory_space<vmem_shared>>
      %dma_wait3A_54 = arith.constant 0 : i32
      %dma_wait3A_55 = tpu.memref_slice %arg6[%add3A_10, %dma_wait3A_54] : memref<10240x128xf32, #tpu.memory_space<vmem_shared>> -> memref<128x128xf32, #tpu.memory_space<vmem_shared>>
      tpu.wait_dma2 semaphore(%run_scoped3A : memref<!tpu.dma_semaphore, #tpu.memory_space<semaphore_mem>>) src(%arg11 : memref<128x128xf32, #tpu.memory_space<vmem>>) dst(%dma_wait3A_55 : memref<128x128xf32, #tpu.memory_space<vmem_shared>>)
      tpu.yield
    }) : () -> ()
    %mul3A_11 = arith.constant 640 : i32
    %mul3A_12 = arith.muli %arg1, %mul3A_11 : i32
    %add3A_13 = arith.constant 256 : i32
    %add3A_14 = arith.addi %mul3A_12, %add3A_13 : i32
    "tpu.region"() ({
      %run_scoped3A = tpu.sem_alloc : memref<!tpu.dma_semaphore, #tpu.memory_space<semaphore_mem>>
      %dma_start3A_48 = arith.constant 0 : i32
      %dma_start3A_49 = tpu.memref_slice %arg6[%add3A_14, %dma_start3A_48] : memref<10240x128xf32, #tpu.memory_space<vmem_shared>> -> memref<128x128xf32, #tpu.memory_space<vmem_shared>>
      %dma_start3A_50 = arith.constant 0 : i32
      %dma_start3A_51 = tpu.memref_slice %arg6[%add3A_14, %dma_start3A_50] : memref<10240x128xf32, #tpu.memory_space<vmem_shared>> -> memref<128x128xf32, #tpu.memory_space<vmem_shared>>
      tpu.enqueue_dma source(%arg11 : memref<128x128xf32, #tpu.memory_space<vmem>>) target(%dma_start3A_51 : memref<128x128xf32, #tpu.memory_space<vmem_shared>>) target_semaphore(%run_scoped3A : memref<!tpu.dma_semaphore, #tpu.memory_space<semaphore_mem>>)
      %dma_wait3A_52 = arith.constant 0 : i32
      %dma_wait3A_53 = tpu.memref_slice %arg6[%add3A_14, %dma_wait3A_52] : memref<10240x128xf32, #tpu.memory_space<vmem_shared>> -> memref<128x128xf32, #tpu.memory_space<vmem_shared>>
      %dma_wait3A_54 = arith.constant 0 : i32
      %dma_wait3A_55 = tpu.memref_slice %arg6[%add3A_14, %dma_wait3A_54] : memref<10240x128xf32, #tpu.memory_space<vmem_shared>> -> memref<128x128xf32, #tpu.memory_space<vmem_shared>>
      tpu.wait_dma2 semaphore(%run_scoped3A : memref<!tpu.dma_semaphore, #tpu.memory_space<semaphore_mem>>) src(%arg11 : memref<128x128xf32, #tpu.memory_space<vmem>>) dst(%dma_wait3A_55 : memref<128x128xf32, #tpu.memory_space<vmem_shared>>)
      tpu.yield
    }) : () -> ()
    %mul3A_15 = arith.constant 640 : i32
    %mul3A_16 = arith.muli %arg1, %mul3A_15 : i32
    %add3A_17 = arith.constant 384 : i32
    %add3A_18 = arith.addi %mul3A_16, %add3A_17 : i32
    "tpu.region"() ({
      %run_scoped3A = tpu.sem_alloc : memref<!tpu.dma_semaphore, #tpu.memory_space<semaphore_mem>>
      %dma_start3A_48 = arith.constant 0 : i32
      %dma_start3A_49 = tpu.memref_slice %arg6[%add3A_18, %dma_start3A_48] : memref<10240x128xf32, #tpu.memory_space<vmem_shared>> -> memref<128x128xf32, #tpu.memory_space<vmem_shared>>
      %dma_start3A_50 = arith.constant 0 : i32
      %dma_start3A_51 = tpu.memref_slice %arg6[%add3A_18, %dma_start3A_50] : memref<10240x128xf32, #tpu.memory_space<vmem_shared>> -> memref<128x128xf32, #tpu.memory_space<vmem_shared>>
      tpu.enqueue_dma source(%arg11 : memref<128x128xf32, #tpu.memory_space<vmem>>) target(%dma_start3A_51 : memref<128x128xf32, #tpu.memory_space<vmem_shared>>) target_semaphore(%run_scoped3A : memref<!tpu.dma_semaphore, #tpu.memory_space<semaphore_mem>>)
      %dma_wait3A_52 = arith.constant 0 : i32
      %dma_wait3A_53 = tpu.memref_slice %arg6[%add3A_18, %dma_wait3A_52] : memref<10240x128xf32, #tpu.memory_space<vmem_shared>> -> memref<128x128xf32, #tpu.memory_space<vmem_shared>>
      %dma_wait3A_54 = arith.constant 0 : i32
      %dma_wait3A_55 = tpu.memref_slice %arg6[%add3A_18, %dma_wait3A_54] : memref<10240x128xf32, #tpu.memory_space<vmem_shared>> -> memref<128x128xf32, #tpu.memory_space<vmem_shared>>
      tpu.wait_dma2 semaphore(%run_scoped3A : memref<!tpu.dma_semaphore, #tpu.memory_space<semaphore_mem>>) src(%arg11 : memref<128x128xf32, #tpu.memory_space<vmem>>) dst(%dma_wait3A_55 : memref<128x128xf32, #tpu.memory_space<vmem_shared>>)
      tpu.yield
    }) : () -> ()
    %mul3A_19 = arith.constant 640 : i32
    %mul3A_20 = arith.muli %arg1, %mul3A_19 : i32
    %add3A_21 = arith.constant 512 : i32
    %add3A_22 = arith.addi %mul3A_20, %add3A_21 : i32
    "tpu.region"() ({
      %run_scoped3A = tpu.sem_alloc : memref<!tpu.dma_semaphore, #tpu.memory_space<semaphore_mem>>
      %dma_start3A_48 = arith.constant 0 : i32
      %dma_start3A_49 = tpu.memref_slice %arg6[%add3A_22, %dma_start3A_48] : memref<10240x128xf32, #tpu.memory_space<vmem_shared>> -> memref<128x128xf32, #tpu.memory_space<vmem_shared>>
      %dma_start3A_50 = arith.constant 0 : i32
      %dma_start3A_51 = tpu.memref_slice %arg6[%add3A_22, %dma_start3A_50] : memref<10240x128xf32, #tpu.memory_space<vmem_shared>> -> memref<128x128xf32, #tpu.memory_space<vmem_shared>>
      tpu.enqueue_dma source(%arg11 : memref<128x128xf32, #tpu.memory_space<vmem>>) target(%dma_start3A_51 : memref<128x128xf32, #tpu.memory_space<vmem_shared>>) target_semaphore(%run_scoped3A : memref<!tpu.dma_semaphore, #tpu.memory_space<semaphore_mem>>)
      %dma_wait3A_52 = arith.constant 0 : i32
      %dma_wait3A_53 = tpu.memref_slice %arg6[%add3A_22, %dma_wait3A_52] : memref<10240x128xf32, #tpu.memory_space<vmem_shared>> -> memref<128x128xf32, #tpu.memory_space<vmem_shared>>
      %dma_wait3A_54 = arith.constant 0 : i32
      %dma_wait3A_55 = tpu.memref_slice %arg6[%add3A_22, %dma_wait3A_54] : memref<10240x128xf32, #tpu.memory_space<vmem_shared>> -> memref<128x128xf32, #tpu.memory_space<vmem_shared>>
      tpu.wait_dma2 semaphore(%run_scoped3A : memref<!tpu.dma_semaphore, #tpu.memory_space<semaphore_mem>>) src(%arg11 : memref<128x128xf32, #tpu.memory_space<vmem>>) dst(%dma_wait3A_55 : memref<128x128xf32, #tpu.memory_space<vmem_shared>>)
      tpu.yield
    }) : () -> ()
    %barrier3A = arith.constant 0 : index
    tpu.barrier barrier_id(%barrier3A)
    %mul3A_23 = arith.constant 16 : i32
    %mul3A_24 = arith.muli %arg0, %mul3A_23 : i32
    %add3A_25 = arith.addi %mul3A_24, %arg1 : i32
    %mul3A_26 = arith.constant 79 : i32
    %mul3A_27 = arith.muli %add3A_25, %mul3A_26 : i32
    %mul3A_28 = arith.constant 128 : i32
    %mul3A_29 = arith.muli %mul3A_27, %mul3A_28 : i32
    %scan3A_30 = arith.constant 0 : i32
    %scan3A_31 = arith.constant 0 : i32
    %scan3A_32 = arith.constant 39 : i32
    %scan3A_33 = arith.addi %scan3A_31, %scan3A_32 : i32
    %scan3A_34 = arith.constant 1 : i32
    scf.for %scan3A_48 = %scan3A_31 to %scan3A_33 step %scan3A_34  : i32 {
      %mul3A_49 = arith.constant 2 : i32
      %mul3A_50 = arith.muli %mul3A_49, %scan3A_48 : i32
      %mul3A_51 = arith.constant 128 : i32
      %mul3A_52 = arith.muli %mul3A_50, %mul3A_51 : i32
      %add3A_53 = arith.addi %mul3A_29, %mul3A_52 : i32
      "tpu.region"() ({
        %run_scoped3A = tpu.sem_alloc : memref<!tpu.dma_semaphore, #tpu.memory_space<semaphore_mem>>
        %dma_start3A_70 = tpu.memref_slice %arg3[%add3A_53] : memref<323584xi32, #tpu.memory_space<hbm>> -> memref<128xi32, #tpu.memory_space<hbm>>
        %dma_start3A_71 = tpu.memref_slice %arg3[%add3A_53] : memref<323584xi32, #tpu.memory_space<hbm>> -> memref<128xi32, #tpu.memory_space<hbm>>
        tpu.enqueue_dma source(%dma_start3A_71 : memref<128xi32, #tpu.memory_space<hbm>>) target(%arg7 : memref<128xi32, #tpu.memory_space<vmem>>) target_semaphore(%run_scoped3A : memref<!tpu.dma_semaphore, #tpu.memory_space<semaphore_mem>>)
        %dma_wait3A_72 = tpu.memref_slice %arg3[%add3A_53] : memref<323584xi32, #tpu.memory_space<hbm>> -> memref<128xi32, #tpu.memory_space<hbm>>
        %dma_wait3A_73 = tpu.memref_slice %arg3[%add3A_53] : memref<323584xi32, #tpu.memory_space<hbm>> -> memref<128xi32, #tpu.memory_space<hbm>>
        tpu.wait_dma2 semaphore(%run_scoped3A : memref<!tpu.dma_semaphore, #tpu.memory_space<semaphore_mem>>) src(%dma_wait3A_73 : memref<128xi32, #tpu.memory_space<hbm>>) dst(%arg7 : memref<128xi32, #tpu.memory_space<vmem>>)
        tpu.yield
      }) : () -> ()
      "tpu.region"() ({
        %run_scoped3A = tpu.sem_alloc : memref<!tpu.dma_semaphore, #tpu.memory_space<semaphore_mem>>
        %dma_start3A_70 = tpu.memref_slice %arg4[%add3A_53] : memref<323584xi32, #tpu.memory_space<hbm>> -> memref<128xi32, #tpu.memory_space<hbm>>
        %dma_start3A_71 = tpu.memref_slice %arg4[%add3A_53] : memref<323584xi32, #tpu.memory_space<hbm>> -> memref<128xi32, #tpu.memory_space<hbm>>
        tpu.enqueue_dma source(%dma_start3A_71 : memref<128xi32, #tpu.memory_space<hbm>>) target(%arg8 : memref<128xi32, #tpu.memory_space<vmem>>) target_semaphore(%run_scoped3A : memref<!tpu.dma_semaphore, #tpu.memory_space<semaphore_mem>>)
        %dma_wait3A_72 = tpu.memref_slice %arg4[%add3A_53] : memref<323584xi32, #tpu.memory_space<hbm>> -> memref<128xi32, #tpu.memory_space<hbm>>
        %dma_wait3A_73 = tpu.memref_slice %arg4[%add3A_53] : memref<323584xi32, #tpu.memory_space<hbm>> -> memref<128xi32, #tpu.memory_space<hbm>>
        tpu.wait_dma2 semaphore(%run_scoped3A : memref<!tpu.dma_semaphore, #tpu.memory_space<semaphore_mem>>) src(%dma_wait3A_73 : memref<128xi32, #tpu.memory_space<hbm>>) dst(%arg8 : memref<128xi32, #tpu.memory_space<vmem>>)
        tpu.yield
      }) : () -> ()
      %dma_start3A_54 = arith.constant 0 : i32
      %dma_start3A_55 = arith.constant 0 : i32
      %dma_start3A_56 = tpu.memref_slice %arg2[%dma_start3A_54, %dma_start3A_55] : memref<10000x128xf32, #tpu.memory_space<hbm>> -> memref<10000x128xf32, #tpu.memory_space<hbm>>
      tpu.enqueue_indirect_dma source(%dma_start3A_56 : memref<10000x128xf32, #tpu.memory_space<hbm>>) target(%arg11 : memref<128x128xf32, #tpu.memory_space<vmem>>) offsets(%arg7 : memref<128xi32, #tpu.memory_space<vmem>>) semaphore(%arg13 : memref<!tpu.dma_semaphore, #tpu.memory_space<semaphore_mem>>)
      %add3A_57 = arith.constant 128 : i32
      %add3A_58 = arith.addi %add3A_53, %add3A_57 : i32
      "tpu.region"() ({
        %run_scoped3A = tpu.sem_alloc : memref<!tpu.dma_semaphore, #tpu.memory_space<semaphore_mem>>
        %dma_start3A_70 = tpu.memref_slice %arg3[%add3A_58] : memref<323584xi32, #tpu.memory_space<hbm>> -> memref<128xi32, #tpu.memory_space<hbm>>
        %dma_start3A_71 = tpu.memref_slice %arg3[%add3A_58] : memref<323584xi32, #tpu.memory_space<hbm>> -> memref<128xi32, #tpu.memory_space<hbm>>
        tpu.enqueue_dma source(%dma_start3A_71 : memref<128xi32, #tpu.memory_space<hbm>>) target(%arg9 : memref<128xi32, #tpu.memory_space<vmem>>) target_semaphore(%run_scoped3A : memref<!tpu.dma_semaphore, #tpu.memory_space<semaphore_mem>>)
        %dma_wait3A_72 = tpu.memref_slice %arg3[%add3A_58] : memref<323584xi32, #tpu.memory_space<hbm>> -> memref<128xi32, #tpu.memory_space<hbm>>
        %dma_wait3A_73 = tpu.memref_slice %arg3[%add3A_58] : memref<323584xi32, #tpu.memory_space<hbm>> -> memref<128xi32, #tpu.memory_space<hbm>>
        tpu.wait_dma2 semaphore(%run_scoped3A : memref<!tpu.dma_semaphore, #tpu.memory_space<semaphore_mem>>) src(%dma_wait3A_73 : memref<128xi32, #tpu.memory_space<hbm>>) dst(%arg9 : memref<128xi32, #tpu.memory_space<vmem>>)
        tpu.yield
      }) : () -> ()
      %add3A_59 = arith.constant 128 : i32
      %add3A_60 = arith.addi %add3A_53, %add3A_59 : i32
      "tpu.region"() ({
        %run_scoped3A = tpu.sem_alloc : memref<!tpu.dma_semaphore, #tpu.memory_space<semaphore_mem>>
        %dma_start3A_70 = tpu.memref_slice %arg4[%add3A_60] : memref<323584xi32, #tpu.memory_space<hbm>> -> memref<128xi32, #tpu.memory_space<hbm>>
        %dma_start3A_71 = tpu.memref_slice %arg4[%add3A_60] : memref<323584xi32, #tpu.memory_space<hbm>> -> memref<128xi32, #tpu.memory_space<hbm>>
        tpu.enqueue_dma source(%dma_start3A_71 : memref<128xi32, #tpu.memory_space<hbm>>) target(%arg10 : memref<128xi32, #tpu.memory_space<vmem>>) target_semaphore(%run_scoped3A : memref<!tpu.dma_semaphore, #tpu.memory_space<semaphore_mem>>)
        %dma_wait3A_72 = tpu.memref_slice %arg4[%add3A_60] : memref<323584xi32, #tpu.memory_space<hbm>> -> memref<128xi32, #tpu.memory_space<hbm>>
        %dma_wait3A_73 = tpu.memref_slice %arg4[%add3A_60] : memref<323584xi32, #tpu.memory_space<hbm>> -> memref<128xi32, #tpu.memory_space<hbm>>
        tpu.wait_dma2 semaphore(%run_scoped3A : memref<!tpu.dma_semaphore, #tpu.memory_space<semaphore_mem>>) src(%dma_wait3A_73 : memref<128xi32, #tpu.memory_space<hbm>>) dst(%arg10 : memref<128xi32, #tpu.memory_space<vmem>>)
        tpu.yield
      }) : () -> ()
      %dma_start3A_61 = arith.constant 0 : i32
      %dma_start3A_62 = arith.constant 0 : i32
      %dma_start3A_63 = tpu.memref_slice %arg2[%dma_start3A_61, %dma_start3A_62] : memref<10000x128xf32, #tpu.memory_space<hbm>> -> memref<10000x128xf32, #tpu.memory_space<hbm>>
      tpu.enqueue_indirect_dma source(%dma_start3A_63 : memref<10000x128xf32, #tpu.memory_space<hbm>>) target(%arg12 : memref<128x128xf32, #tpu.memory_space<vmem>>) offsets(%arg9 : memref<128xi32, #tpu.memory_space<vmem>>) semaphore(%arg14 : memref<!tpu.dma_semaphore, #tpu.memory_space<semaphore_mem>>)
      %dma_wait3A_64 = arith.constant 0 : i32
      %dma_wait3A_65 = arith.constant 0 : i32
      %dma_wait3A_66 = tpu.memref_slice %arg2[%dma_wait3A_64, %dma_wait3A_65] : memref<10000x128xf32, #tpu.memory_space<hbm>> -> memref<10000x128xf32, #tpu.memory_space<hbm>>
      tpu.wait_indirect_dma semaphore(%arg13 : memref<!tpu.dma_semaphore, #tpu.memory_space<semaphore_mem>>) src(%dma_wait3A_66 : memref<10000x128xf32, #tpu.memory_space<hbm>>) dst(%arg11 : memref<128x128xf32, #tpu.memory_space<vmem>>)
      "tpu.region"() ({
        %run_scoped3A = tpu.sem_alloc : memref<!tpu.dma_semaphore, #tpu.memory_space<semaphore_mem>>
        %dma_start3A_70 = arith.constant 0 : i32
        %dma_start3A_71 = arith.constant 0 : i32
        %dma_start3A_72 = tpu.memref_slice %arg6[%dma_start3A_70, %dma_start3A_71] : memref<10240x128xf32, #tpu.memory_space<vmem_shared>> -> memref<10240x128xf32, #tpu.memory_space<vmem_shared>>
        tpu.enqueue_indirect_dma source(%arg11 : memref<128x128xf32, #tpu.memory_space<vmem>>) target(%dma_start3A_72 : memref<10240x128xf32, #tpu.memory_space<vmem_shared>>) offsets(%arg8 : memref<128xi32, #tpu.memory_space<vmem>>) semaphore(%run_scoped3A : memref<!tpu.dma_semaphore, #tpu.memory_space<semaphore_mem>>) {add = true}
        %dma_wait3A_73 = arith.constant 0 : i32
        %dma_wait3A_74 = arith.constant 0 : i32
        %dma_wait3A_75 = tpu.memref_slice %arg6[%dma_wait3A_73, %dma_wait3A_74] : memref<10240x128xf32, #tpu.memory_space<vmem_shared>> -> memref<10240x128xf32, #tpu.memory_space<vmem_shared>>
        tpu.wait_indirect_dma semaphore(%run_scoped3A : memref<!tpu.dma_semaphore, #tpu.memory_space<semaphore_mem>>) src(%arg11 : memref<128x128xf32, #tpu.memory_space<vmem>>) dst(%dma_wait3A_75 : memref<10240x128xf32, #tpu.memory_space<vmem_shared>>)
        tpu.yield
      }) : () -> ()
      %dma_wait3A_67 = arith.constant 0 : i32
      %dma_wait3A_68 = arith.constant 0 : i32
      %dma_wait3A_69 = tpu.memref_slice %arg2[%dma_wait3A_67, %dma_wait3A_68] : memref<10000x128xf32, #tpu.memory_space<hbm>> -> memref<10000x128xf32, #tpu.memory_space<hbm>>
      tpu.wait_indirect_dma semaphore(%arg14 : memref<!tpu.dma_semaphore, #tpu.memory_space<semaphore_mem>>) src(%dma_wait3A_69 : memref<10000x128xf32, #tpu.memory_space<hbm>>) dst(%arg12 : memref<128x128xf32, #tpu.memory_space<vmem>>)
      "tpu.region"() ({
        %run_scoped3A = tpu.sem_alloc : memref<!tpu.dma_semaphore, #tpu.memory_space<semaphore_mem>>
        %dma_start3A_70 = arith.constant 0 : i32
        %dma_start3A_71 = arith.constant 0 : i32
        %dma_start3A_72 = tpu.memref_slice %arg6[%dma_start3A_70, %dma_start3A_71] : memref<10240x128xf32, #tpu.memory_space<vmem_shared>> -> memref<10240x128xf32, #tpu.memory_space<vmem_shared>>
        tpu.enqueue_indirect_dma source(%arg12 : memref<128x128xf32, #tpu.memory_space<vmem>>) target(%dma_start3A_72 : memref<10240x128xf32, #tpu.memory_space<vmem_shared>>) offsets(%arg10 : memref<128xi32, #tpu.memory_space<vmem>>) semaphore(%run_scoped3A : memref<!tpu.dma_semaphore, #tpu.memory_space<semaphore_mem>>) {add = true}
        %dma_wait3A_73 = arith.constant 0 : i32
        %dma_wait3A_74 = arith.constant 0 : i32
        %dma_wait3A_75 = tpu.memref_slice %arg6[%dma_wait3A_73, %dma_wait3A_74] : memref<10240x128xf32, #tpu.memory_space<vmem_shared>> -> memref<10240x128xf32, #tpu.memory_space<vmem_shared>>
        tpu.wait_indirect_dma semaphore(%run_scoped3A : memref<!tpu.dma_semaphore, #tpu.memory_space<semaphore_mem>>) src(%arg12 : memref<128x128xf32, #tpu.memory_space<vmem>>) dst(%dma_wait3A_75 : memref<10240x128xf32, #tpu.memory_space<vmem_shared>>)
        tpu.yield
      }) : () -> ()
    }
    %scan3A_35 = arith.constant 39 : i32
    %add3A_36 = arith.constant 9984 : i32
    %add3A_37 = arith.addi %mul3A_29, %add3A_36 : i32
    "tpu.region"() ({
      %run_scoped3A = tpu.sem_alloc : memref<!tpu.dma_semaphore, #tpu.memory_space<semaphore_mem>>
      %dma_start3A_48 = tpu.memref_slice %arg3[%add3A_37] : memref<323584xi32, #tpu.memory_space<hbm>> -> memref<128xi32, #tpu.memory_space<hbm>>
      %dma_start3A_49 = tpu.memref_slice %arg3[%add3A_37] : memref<323584xi32, #tpu.memory_space<hbm>> -> memref<128xi32, #tpu.memory_space<hbm>>
      tpu.enqueue_dma source(%dma_start3A_49 : memref<128xi32, #tpu.memory_space<hbm>>) target(%arg7 : memref<128xi32, #tpu.memory_space<vmem>>) target_semaphore(%run_scoped3A : memref<!tpu.dma_semaphore, #tpu.memory_space<semaphore_mem>>)
      %dma_wait3A_50 = tpu.memref_slice %arg3[%add3A_37] : memref<323584xi32, #tpu.memory_space<hbm>> -> memref<128xi32, #tpu.memory_space<hbm>>
      %dma_wait3A_51 = tpu.memref_slice %arg3[%add3A_37] : memref<323584xi32, #tpu.memory_space<hbm>> -> memref<128xi32, #tpu.memory_space<hbm>>
      tpu.wait_dma2 semaphore(%run_scoped3A : memref<!tpu.dma_semaphore, #tpu.memory_space<semaphore_mem>>) src(%dma_wait3A_51 : memref<128xi32, #tpu.memory_space<hbm>>) dst(%arg7 : memref<128xi32, #tpu.memory_space<vmem>>)
      tpu.yield
    }) : () -> ()
    "tpu.region"() ({
      %run_scoped3A = tpu.sem_alloc : memref<!tpu.dma_semaphore, #tpu.memory_space<semaphore_mem>>
      %dma_start3A_48 = tpu.memref_slice %arg4[%add3A_37] : memref<323584xi32, #tpu.memory_space<hbm>> -> memref<128xi32, #tpu.memory_space<hbm>>
      %dma_start3A_49 = tpu.memref_slice %arg4[%add3A_37] : memref<323584xi32, #tpu.memory_space<hbm>> -> memref<128xi32, #tpu.memory_space<hbm>>
      tpu.enqueue_dma source(%dma_start3A_49 : memref<128xi32, #tpu.memory_space<hbm>>) target(%arg8 : memref<128xi32, #tpu.memory_space<vmem>>) target_semaphore(%run_scoped3A : memref<!tpu.dma_semaphore, #tpu.memory_space<semaphore_mem>>)
      %dma_wait3A_50 = tpu.memref_slice %arg4[%add3A_37] : memref<323584xi32, #tpu.memory_space<hbm>> -> memref<128xi32, #tpu.memory_space<hbm>>
      %dma_wait3A_51 = tpu.memref_slice %arg4[%add3A_37] : memref<323584xi32, #tpu.memory_space<hbm>> -> memref<128xi32, #tpu.memory_space<hbm>>
      tpu.wait_dma2 semaphore(%run_scoped3A : memref<!tpu.dma_semaphore, #tpu.memory_space<semaphore_mem>>) src(%dma_wait3A_51 : memref<128xi32, #tpu.memory_space<hbm>>) dst(%arg8 : memref<128xi32, #tpu.memory_space<vmem>>)
      tpu.yield
    }) : () -> ()
    %dma_start3A = arith.constant 0 : i32
    %dma_start3A_38 = arith.constant 0 : i32
    %dma_start3A_39 = tpu.memref_slice %arg2[%dma_start3A, %dma_start3A_38] : memref<10000x128xf32, #tpu.memory_space<hbm>> -> memref<10000x128xf32, #tpu.memory_space<hbm>>
    tpu.enqueue_indirect_dma source(%dma_start3A_39 : memref<10000x128xf32, #tpu.memory_space<hbm>>) target(%arg11 : memref<128x128xf32, #tpu.memory_space<vmem>>) offsets(%arg7 : memref<128xi32, #tpu.memory_space<vmem>>) semaphore(%arg13 : memref<!tpu.dma_semaphore, #tpu.memory_space<semaphore_mem>>)
    %dma_wait3A = arith.constant 0 : i32
    %dma_wait3A_40 = arith.constant 0 : i32
    %dma_wait3A_41 = tpu.memref_slice %arg2[%dma_wait3A, %dma_wait3A_40] : memref<10000x128xf32, #tpu.memory_space<hbm>> -> memref<10000x128xf32, #tpu.memory_space<hbm>>
    tpu.wait_indirect_dma semaphore(%arg13 : memref<!tpu.dma_semaphore, #tpu.memory_space<semaphore_mem>>) src(%dma_wait3A_41 : memref<10000x128xf32, #tpu.memory_space<hbm>>) dst(%arg11 : memref<128x128xf32, #tpu.memory_space<vmem>>)
    "tpu.region"() ({
      %run_scoped3A = tpu.sem_alloc : memref<!tpu.dma_semaphore, #tpu.memory_space<semaphore_mem>>
      %dma_start3A_48 = arith.constant 0 : i32
      %dma_start3A_49 = arith.constant 0 : i32
      %dma_start3A_50 = tpu.memref_slice %arg6[%dma_start3A_48, %dma_start3A_49] : memref<10240x128xf32, #tpu.memory_space<vmem_shared>> -> memref<10240x128xf32, #tpu.memory_space<vmem_shared>>
      tpu.enqueue_indirect_dma source(%arg11 : memref<128x128xf32, #tpu.memory_space<vmem>>) target(%dma_start3A_50 : memref<10240x128xf32, #tpu.memory_space<vmem_shared>>) offsets(%arg8 : memref<128xi32, #tpu.memory_space<vmem>>) semaphore(%run_scoped3A : memref<!tpu.dma_semaphore, #tpu.memory_space<semaphore_mem>>) {add = true}
      %dma_wait3A_51 = arith.constant 0 : i32
      %dma_wait3A_52 = arith.constant 0 : i32
      %dma_wait3A_53 = tpu.memref_slice %arg6[%dma_wait3A_51, %dma_wait3A_52] : memref<10240x128xf32, #tpu.memory_space<vmem_shared>> -> memref<10240x128xf32, #tpu.memory_space<vmem_shared>>
      tpu.wait_indirect_dma semaphore(%run_scoped3A : memref<!tpu.dma_semaphore, #tpu.memory_space<semaphore_mem>>) src(%arg11 : memref<128x128xf32, #tpu.memory_space<vmem>>) dst(%dma_wait3A_53 : memref<10240x128xf32, #tpu.memory_space<vmem_shared>>)
      tpu.yield
    }) : () -> ()
    %barrier3A_42 = arith.constant 0 : index
    tpu.barrier barrier_id(%barrier3A_42)
    %mul3A_43 = arith.constant 640 : i32
    %mul3A_44 = arith.muli %arg1, %mul3A_43 : i32
    %mul3A_45 = arith.constant 10240 : i32
    %mul3A_46 = arith.muli %arg0, %mul3A_45 : i32
    %add3A_47 = arith.addi %mul3A_46, %mul3A_44 : i32
    "tpu.region"() ({
      %run_scoped3A = tpu.sem_alloc : memref<!tpu.dma_semaphore, #tpu.memory_space<semaphore_mem>>
      %dma_start3A_48 = arith.constant 0 : i32
      %dma_start3A_49 = tpu.memref_slice %arg5[%add3A_47, %dma_start3A_48] : memref<20480x128xf32, #tpu.memory_space<hbm>> -> memref<640x128xf32, #tpu.memory_space<hbm>>
      %dma_start3A_50 = arith.constant 0 : i32
      %dma_start3A_51 = tpu.memref_slice %arg6[%mul3A_44, %dma_start3A_50] : memref<10240x128xf32, #tpu.memory_space<vmem_shared>> -> memref<640x128xf32, #tpu.memory_space<vmem_shared>>
      tpu.enqueue_dma source(%dma_start3A_51 : memref<640x128xf32, #tpu.memory_space<vmem_shared>>) target(%dma_start3A_49 : memref<640x128xf32, #tpu.memory_space<hbm>>) target_semaphore(%run_scoped3A : memref<!tpu.dma_semaphore, #tpu.memory_space<semaphore_mem>>)
      %dma_wait3A_52 = arith.constant 0 : i32
      %dma_wait3A_53 = tpu.memref_slice %arg5[%add3A_47, %dma_wait3A_52] : memref<20480x128xf32, #tpu.memory_space<hbm>> -> memref<640x128xf32, #tpu.memory_space<hbm>>
      %dma_wait3A_54 = arith.constant 0 : i32
      %dma_wait3A_55 = tpu.memref_slice %arg6[%mul3A_44, %dma_wait3A_54] : memref<10240x128xf32, #tpu.memory_space<vmem_shared>> -> memref<640x128xf32, #tpu.memory_space<vmem_shared>>
      tpu.wait_dma2 semaphore(%run_scoped3A : memref<!tpu.dma_semaphore, #tpu.memory_space<semaphore_mem>>) src(%dma_wait3A_55 : memref<640x128xf32, #tpu.memory_space<vmem_shared>>) dst(%dma_wait3A_53 : memref<640x128xf32, #tpu.memory_space<hbm>>)
      tpu.yield
    }) : () -> ()
    return
  }
}

#map = affine_map<(d0, d1) -> (0, 0)>
#map1 = affine_map<(d0, d1) -> (0)>
module attributes {stable_mosaic.version = 14 : i64} {
  func.func @seg(%arg0: i32, %arg1: i32, %arg2: memref<10000x128xf32, #tpu.memory_space<hbm>>, %arg3: memref<323584xi32, #tpu.memory_space<hbm>>, %arg4: memref<323584xi32, #tpu.memory_space<hbm>>, %arg5: memref<20480x128xf32, #tpu.memory_space<hbm>>, %arg6: memref<10240x128xf32, #tpu.memory_space<vmem_shared>>, %arg7: memref<128xi32, #tpu.memory_space<vmem>>, %arg8: memref<128xi32, #tpu.memory_space<vmem>>, %arg9: memref<128xi32, #tpu.memory_space<vmem>>, %arg10: memref<128xi32, #tpu.memory_space<vmem>>, %arg11: memref<128x128xf32, #tpu.memory_space<vmem>>, %arg12: memref<128x128xf32, #tpu.memory_space<vmem>>, %arg13: memref<!tpu.dma_semaphore, #tpu.memory_space<semaphore_mem>>, %arg14: memref<!tpu.dma_semaphore, #tpu.memory_space<semaphore_mem>>) attributes {dimension_semantics = [#tpu.dimension_semantics<core_parallel>, #tpu.dimension_semantics<subcore_parallel>], iteration_bounds = array<i64: 2, 16>, scalar_prefetch = 0 : i64, scratch_operands = 9 : i64, tpu.core_type = #tpu.core_type<sc_vector_subcore>, window_params = [{transform_indices = #map}, {transform_indices = #map1}, {transform_indices = #map1}, {transform_indices = #map}]} {
    %scan3A = arith.constant 0 : i32
    %scan3A_0 = arith.constant 0 : i32
    %scan3A_1 = arith.constant 128 : i32
    %scan3A_2 = arith.addi %scan3A_0, %scan3A_1 : i32
    %scan3A_3 = arith.constant 1 : i32
    scf.for %scan3A_48 = %scan3A_0 to %scan3A_2 step %scan3A_3  : i32 {
      %broadcast_in_dim3A = arith.constant 0.000000e+00 : f32
      %broadcast_in_dim3A_49 = vector.broadcast %broadcast_in_dim3A : f32 to vector<16xf32>
      %swap3A = arith.index_cast %scan3A_48 : i32 to index
      %swap3A_50 = arith.constant 0 : index
      %swap3A_51 = tpu.vector_load %arg11[%swap3A, %swap3A_50] {strides = array<i32>} : memref<128x128xf32, #tpu.memory_space<vmem>>, vector<1x16xf32>,
      %swap3A_52 = vector.shape_cast %swap3A_51 : vector<1x16xf32> to vector<16xf32>
      %swap3A_53 = vector.shape_cast %broadcast_in_dim3A_49 : vector<16xf32> to vector<1x16xf32>
      tpu.vector_store %arg11[%swap3A, %swap3A_50], %swap3A_53 {strides = array<i32>} : memref<128x128xf32, #tpu.memory_space<vmem>>, vector<1x16xf32>,
      %broadcast_in_dim3A_54 = arith.constant 0.000000e+00 : f32
      %broadcast_in_dim3A_55 = vector.broadcast %broadcast_in_dim3A_54 : f32 to vector<16xf32>
      %swap3A_56 = arith.index_cast %scan3A_48 : i32 to index
      %swap3A_57 = arith.constant 16 : index
      %swap3A_58 = tpu.vector_load %arg11[%swap3A_56, %swap3A_57] {strides = array<i32>} : memref<128x128xf32, #tpu.memory_space<vmem>>, vector<1x16xf32>,
      %swap3A_59 = vector.shape_cast %swap3A_58 : vector<1x16xf32> to vector<16xf32>
      %swap3A_60 = vector.shape_cast %broadcast_in_dim3A_55 : vector<16xf32> to vector<1x16xf32>
      tpu.vector_store %arg11[%swap3A_56, %swap3A_57], %swap3A_60 {strides = array<i32>} : memref<128x128xf32, #tpu.memory_space<vmem>>, vector<1x16xf32>,
      %broadcast_in_dim3A_61 = arith.constant 0.000000e+00 : f32
      %broadcast_in_dim3A_62 = vector.broadcast %broadcast_in_dim3A_61 : f32 to vector<16xf32>
      %swap3A_63 = arith.index_cast %scan3A_48 : i32 to index
      %swap3A_64 = arith.constant 32 : index
      %swap3A_65 = tpu.vector_load %arg11[%swap3A_63, %swap3A_64] {strides = array<i32>} : memref<128x128xf32, #tpu.memory_space<vmem>>, vector<1x16xf32>,
      %swap3A_66 = vector.shape_cast %swap3A_65 : vector<1x16xf32> to vector<16xf32>
      %swap3A_67 = vector.shape_cast %broadcast_in_dim3A_62 : vector<16xf32> to vector<1x16xf32>
      tpu.vector_store %arg11[%swap3A_63, %swap3A_64], %swap3A_67 {strides = array<i32>} : memref<128x128xf32, #tpu.memory_space<vmem>>, vector<1x16xf32>,
      %broadcast_in_dim3A_68 = arith.constant 0.000000e+00 : f32
      %broadcast_in_dim3A_69 = vector.broadcast %broadcast_in_dim3A_68 : f32 to vector<16xf32>
      %swap3A_70 = arith.index_cast %scan3A_48 : i32 to index
      %swap3A_71 = arith.constant 48 : index
      %swap3A_72 = tpu.vector_load %arg11[%swap3A_70, %swap3A_71] {strides = array<i32>} : memref<128x128xf32, #tpu.memory_space<vmem>>, vector<1x16xf32>,
      %swap3A_73 = vector.shape_cast %swap3A_72 : vector<1x16xf32> to vector<16xf32>
      %swap3A_74 = vector.shape_cast %broadcast_in_dim3A_69 : vector<16xf32> to vector<1x16xf32>
      tpu.vector_store %arg11[%swap3A_70, %swap3A_71], %swap3A_74 {strides = array<i32>} : memref<128x128xf32, #tpu.memory_space<vmem>>, vector<1x16xf32>,
      %broadcast_in_dim3A_75 = arith.constant 0.000000e+00 : f32
      %broadcast_in_dim3A_76 = vector.broadcast %broadcast_in_dim3A_75 : f32 to vector<16xf32>
      %swap3A_77 = arith.index_cast %scan3A_48 : i32 to index
      %swap3A_78 = arith.constant 64 : index
      %swap3A_79 = tpu.vector_load %arg11[%swap3A_77, %swap3A_78] {strides = array<i32>} : memref<128x128xf32, #tpu.memory_space<vmem>>, vector<1x16xf32>,
      %swap3A_80 = vector.shape_cast %swap3A_79 : vector<1x16xf32> to vector<16xf32>
      %swap3A_81 = vector.shape_cast %broadcast_in_dim3A_76 : vector<16xf32> to vector<1x16xf32>
      tpu.vector_store %arg11[%swap3A_77, %swap3A_78], %swap3A_81 {strides = array<i32>} : memref<128x128xf32, #tpu.memory_space<vmem>>, vector<1x16xf32>,
      %broadcast_in_dim3A_82 = arith.constant 0.000000e+00 : f32
      %broadcast_in_dim3A_83 = vector.broadcast %broadcast_in_dim3A_82 : f32 to vector<16xf32>
      %swap3A_84 = arith.index_cast %scan3A_48 : i32 to index
      %swap3A_85 = arith.constant 80 : index
      %swap3A_86 = tpu.vector_load %arg11[%swap3A_84, %swap3A_85] {strides = array<i32>} : memref<128x128xf32, #tpu.memory_space<vmem>>, vector<1x16xf32>,
      %swap3A_87 = vector.shape_cast %swap3A_86 : vector<1x16xf32> to vector<16xf32>
      %swap3A_88 = vector.shape_cast %broadcast_in_dim3A_83 : vector<16xf32> to vector<1x16xf32>
      tpu.vector_store %arg11[%swap3A_84, %swap3A_85], %swap3A_88 {strides = array<i32>} : memref<128x128xf32, #tpu.memory_space<vmem>>, vector<1x16xf32>,
      %broadcast_in_dim3A_89 = arith.constant 0.000000e+00 : f32
      %broadcast_in_dim3A_90 = vector.broadcast %broadcast_in_dim3A_89 : f32 to vector<16xf32>
      %swap3A_91 = arith.index_cast %scan3A_48 : i32 to index
      %swap3A_92 = arith.constant 96 : index
      %swap3A_93 = tpu.vector_load %arg11[%swap3A_91, %swap3A_92] {strides = array<i32>} : memref<128x128xf32, #tpu.memory_space<vmem>>, vector<1x16xf32>,
      %swap3A_94 = vector.shape_cast %swap3A_93 : vector<1x16xf32> to vector<16xf32>
      %swap3A_95 = vector.shape_cast %broadcast_in_dim3A_90 : vector<16xf32> to vector<1x16xf32>
      tpu.vector_store %arg11[%swap3A_91, %swap3A_92], %swap3A_95 {strides = array<i32>} : memref<128x128xf32, #tpu.memory_space<vmem>>, vector<1x16xf32>,
      %broadcast_in_dim3A_96 = arith.constant 0.000000e+00 : f32
      %broadcast_in_dim3A_97 = vector.broadcast %broadcast_in_dim3A_96 : f32 to vector<16xf32>
      %swap3A_98 = arith.index_cast %scan3A_48 : i32 to index
      %swap3A_99 = arith.constant 112 : index
      %swap3A_100 = tpu.vector_load %arg11[%swap3A_98, %swap3A_99] {strides = array<i32>} : memref<128x128xf32, #tpu.memory_space<vmem>>, vector<1x16xf32>,
      %swap3A_101 = vector.shape_cast %swap3A_100 : vector<1x16xf32> to vector<16xf32>
      %swap3A_102 = vector.shape_cast %broadcast_in_dim3A_97 : vector<16xf32> to vector<1x16xf32>
      tpu.vector_store %arg11[%swap3A_98, %swap3A_99], %swap3A_102 {strides = array<i32>} : memref<128x128xf32, #tpu.memory_space<vmem>>, vector<1x16xf32>,
    }
    %scan3A_4 = arith.constant 128 : i32
    %mul3A = arith.constant 640 : i32
    %mul3A_5 = arith.muli %arg1, %mul3A : i32
    %add3A = arith.constant 0 : i32
    %add3A_6 = arith.addi %mul3A_5, %add3A : i32
    "tpu.region"() ({
      %run_scoped3A = tpu.sem_alloc : memref<!tpu.dma_semaphore, #tpu.memory_space<semaphore_mem>>
      %dma_start3A_48 = arith.constant 0 : i32
      %dma_start3A_49 = tpu.memref_slice %arg6[%add3A_6, %dma_start3A_48] : memref<10240x128xf32, #tpu.memory_space<vmem_shared>> -> memref<128x128xf32, #tpu.memory_space<vmem_shared>>
      %dma_start3A_50 = arith.constant 0 : i32
      %dma_start3A_51 = tpu.memref_slice %arg6[%add3A_6, %dma_start3A_50] : memref<10240x128xf32, #tpu.memory_space<vmem_shared>> -> memref<128x128xf32, #tpu.memory_space<vmem_shared>>
      tpu.enqueue_dma source(%arg11 : memref<128x128xf32, #tpu.memory_space<vmem>>) target(%dma_start3A_51 : memref<128x128xf32, #tpu.memory_space<vmem_shared>>) target_semaphore(%run_scoped3A : memref<!tpu.dma_semaphore, #tpu.memory_space<semaphore_mem>>)
      %dma_wait3A_52 = arith.constant 0 : i32
      %dma_wait3A_53 = tpu.memref_slice %arg6[%add3A_6, %dma_wait3A_52] : memref<10240x128xf32, #tpu.memory_space<vmem_shared>> -> memref<128x128xf32, #tpu.memory_space<vmem_shared>>
      %dma_wait3A_54 = arith.constant 0 : i32
      %dma_wait3A_55 = tpu.memref_slice %arg6[%add3A_6, %dma_wait3A_54] : memref<10240x128xf32, #tpu.memory_space<vmem_shared>> -> memref<128x128xf32, #tpu.memory_space<vmem_shared>>
      tpu.wait_dma2 semaphore(%run_scoped3A : memref<!tpu.dma_semaphore, #tpu.memory_space<semaphore_mem>>) src(%arg11 : memref<128x128xf32, #tpu.memory_space<vmem>>) dst(%dma_wait3A_55 : memref<128x128xf32, #tpu.memory_space<vmem_shared>>)
      tpu.yield
    }) : () -> ()
    %mul3A_7 = arith.constant 640 : i32
    %mul3A_8 = arith.muli %arg1, %mul3A_7 : i32
    %add3A_9 = arith.constant 128 : i32
    %add3A_10 = arith.addi %mul3A_8, %add3A_9 : i32
    "tpu.region"() ({
      %run_scoped3A = tpu.sem_alloc : memref<!tpu.dma_semaphore, #tpu.memory_space<semaphore_mem>>
      %dma_start3A_48 = arith.constant 0 : i32
      %dma_start3A_49 = tpu.memref_slice %arg6[%add3A_10, %dma_start3A_48] : memref<10240x128xf32, #tpu.memory_space<vmem_shared>> -> memref<128x128xf32, #tpu.memory_space<vmem_shared>>
      %dma_start3A_50 = arith.constant 0 : i32
      %dma_start3A_51 = tpu.memref_slice %arg6[%add3A_10, %dma_start3A_50] : memref<10240x128xf32, #tpu.memory_space<vmem_shared>> -> memref<128x128xf32, #tpu.memory_space<vmem_shared>>
      tpu.enqueue_dma source(%arg11 : memref<128x128xf32, #tpu.memory_space<vmem>>) target(%dma_start3A_51 : memref<128x128xf32, #tpu.memory_space<vmem_shared>>) target_semaphore(%run_scoped3A : memref<!tpu.dma_semaphore, #tpu.memory_space<semaphore_mem>>)
      %dma_wait3A_52 = arith.constant 0 : i32
      %dma_wait3A_53 = tpu.memref_slice %arg6[%add3A_10, %dma_wait3A_52] : memref<10240x128xf32, #tpu.memory_space<vmem_shared>> -> memref<128x128xf32, #tpu.memory_space<vmem_shared>>
      %dma_wait3A_54 = arith.constant 0 : i32
      %dma_wait3A_55 = tpu.memref_slice %arg6[%add3A_10, %dma_wait3A_54] : memref<10240x128xf32, #tpu.memory_space<vmem_shared>> -> memref<128x128xf32, #tpu.memory_space<vmem_shared>>
      tpu.wait_dma2 semaphore(%run_scoped3A : memref<!tpu.dma_semaphore, #tpu.memory_space<semaphore_mem>>) src(%arg11 : memref<128x128xf32, #tpu.memory_space<vmem>>) dst(%dma_wait3A_55 : memref<128x128xf32, #tpu.memory_space<vmem_shared>>)
      tpu.yield
    }) : () -> ()
    %mul3A_11 = arith.constant 640 : i32
    %mul3A_12 = arith.muli %arg1, %mul3A_11 : i32
    %add3A_13 = arith.constant 256 : i32
    %add3A_14 = arith.addi %mul3A_12, %add3A_13 : i32
    "tpu.region"() ({
      %run_scoped3A = tpu.sem_alloc : memref<!tpu.dma_semaphore, #tpu.memory_space<semaphore_mem>>
      %dma_start3A_48 = arith.constant 0 : i32
      %dma_start3A_49 = tpu.memref_slice %arg6[%add3A_14, %dma_start3A_48] : memref<10240x128xf32, #tpu.memory_space<vmem_shared>> -> memref<128x128xf32, #tpu.memory_space<vmem_shared>>
      %dma_start3A_50 = arith.constant 0 : i32
      %dma_start3A_51 = tpu.memref_slice %arg6[%add3A_14, %dma_start3A_50] : memref<10240x128xf32, #tpu.memory_space<vmem_shared>> -> memref<128x128xf32, #tpu.memory_space<vmem_shared>>
      tpu.enqueue_dma source(%arg11 : memref<128x128xf32, #tpu.memory_space<vmem>>) target(%dma_start3A_51 : memref<128x128xf32, #tpu.memory_space<vmem_shared>>) target_semaphore(%run_scoped3A : memref<!tpu.dma_semaphore, #tpu.memory_space<semaphore_mem>>)
      %dma_wait3A_52 = arith.constant 0 : i32
      %dma_wait3A_53 = tpu.memref_slice %arg6[%add3A_14, %dma_wait3A_52] : memref<10240x128xf32, #tpu.memory_space<vmem_shared>> -> memref<128x128xf32, #tpu.memory_space<vmem_shared>>
      %dma_wait3A_54 = arith.constant 0 : i32
      %dma_wait3A_55 = tpu.memref_slice %arg6[%add3A_14, %dma_wait3A_54] : memref<10240x128xf32, #tpu.memory_space<vmem_shared>> -> memref<128x128xf32, #tpu.memory_space<vmem_shared>>
      tpu.wait_dma2 semaphore(%run_scoped3A : memref<!tpu.dma_semaphore, #tpu.memory_space<semaphore_mem>>) src(%arg11 : memref<128x128xf32, #tpu.memory_space<vmem>>) dst(%dma_wait3A_55 : memref<128x128xf32, #tpu.memory_space<vmem_shared>>)
      tpu.yield
    }) : () -> ()
    %mul3A_15 = arith.constant 640 : i32
    %mul3A_16 = arith.muli %arg1, %mul3A_15 : i32
    %add3A_17 = arith.constant 384 : i32
    %add3A_18 = arith.addi %mul3A_16, %add3A_17 : i32
    "tpu.region"() ({
      %run_scoped3A = tpu.sem_alloc : memref<!tpu.dma_semaphore, #tpu.memory_space<semaphore_mem>>
      %dma_start3A_48 = arith.constant 0 : i32
      %dma_start3A_49 = tpu.memref_slice %arg6[%add3A_18, %dma_start3A_48] : memref<10240x128xf32, #tpu.memory_space<vmem_shared>> -> memref<128x128xf32, #tpu.memory_space<vmem_shared>>
      %dma_start3A_50 = arith.constant 0 : i32
      %dma_start3A_51 = tpu.memref_slice %arg6[%add3A_18, %dma_start3A_50] : memref<10240x128xf32, #tpu.memory_space<vmem_shared>> -> memref<128x128xf32, #tpu.memory_space<vmem_shared>>
      tpu.enqueue_dma source(%arg11 : memref<128x128xf32, #tpu.memory_space<vmem>>) target(%dma_start3A_51 : memref<128x128xf32, #tpu.memory_space<vmem_shared>>) target_semaphore(%run_scoped3A : memref<!tpu.dma_semaphore, #tpu.memory_space<semaphore_mem>>)
      %dma_wait3A_52 = arith.constant 0 : i32
      %dma_wait3A_53 = tpu.memref_slice %arg6[%add3A_18, %dma_wait3A_52] : memref<10240x128xf32, #tpu.memory_space<vmem_shared>> -> memref<128x128xf32, #tpu.memory_space<vmem_shared>>
      %dma_wait3A_54 = arith.constant 0 : i32
      %dma_wait3A_55 = tpu.memref_slice %arg6[%add3A_18, %dma_wait3A_54] : memref<10240x128xf32, #tpu.memory_space<vmem_shared>> -> memref<128x128xf32, #tpu.memory_space<vmem_shared>>
      tpu.wait_dma2 semaphore(%run_scoped3A : memref<!tpu.dma_semaphore, #tpu.memory_space<semaphore_mem>>) src(%arg11 : memref<128x128xf32, #tpu.memory_space<vmem>>) dst(%dma_wait3A_55 : memref<128x128xf32, #tpu.memory_space<vmem_shared>>)
      tpu.yield
    }) : () -> ()
    %mul3A_19 = arith.constant 640 : i32
    %mul3A_20 = arith.muli %arg1, %mul3A_19 : i32
    %add3A_21 = arith.constant 512 : i32
    %add3A_22 = arith.addi %mul3A_20, %add3A_21 : i32
    "tpu.region"() ({
      %run_scoped3A = tpu.sem_alloc : memref<!tpu.dma_semaphore, #tpu.memory_space<semaphore_mem>>
      %dma_start3A_48 = arith.constant 0 : i32
      %dma_start3A_49 = tpu.memref_slice %arg6[%add3A_22, %dma_start3A_48] : memref<10240x128xf32, #tpu.memory_space<vmem_shared>> -> memref<128x128xf32, #tpu.memory_space<vmem_shared>>
      %dma_start3A_50 = arith.constant 0 : i32
      %dma_start3A_51 = tpu.memref_slice %arg6[%add3A_22, %dma_start3A_50] : memref<10240x128xf32, #tpu.memory_space<vmem_shared>> -> memref<128x128xf32, #tpu.memory_space<vmem_shared>>
      tpu.enqueue_dma source(%arg11 : memref<128x128xf32, #tpu.memory_space<vmem>>) target(%dma_start3A_51 : memref<128x128xf32, #tpu.memory_space<vmem_shared>>) target_semaphore(%run_scoped3A : memref<!tpu.dma_semaphore, #tpu.memory_space<semaphore_mem>>)
      %dma_wait3A_52 = arith.constant 0 : i32
      %dma_wait3A_53 = tpu.memref_slice %arg6[%add3A_22, %dma_wait3A_52] : memref<10240x128xf32, #tpu.memory_space<vmem_shared>> -> memref<128x128xf32, #tpu.memory_space<vmem_shared>>
      %dma_wait3A_54 = arith.constant 0 : i32
      %dma_wait3A_55 = tpu.memref_slice %arg6[%add3A_22, %dma_wait3A_54] : memref<10240x128xf32, #tpu.memory_space<vmem_shared>> -> memref<128x128xf32, #tpu.memory_space<vmem_shared>>
      tpu.wait_dma2 semaphore(%run_scoped3A : memref<!tpu.dma_semaphore, #tpu.memory_space<semaphore_mem>>) src(%arg11 : memref<128x128xf32, #tpu.memory_space<vmem>>) dst(%dma_wait3A_55 : memref<128x128xf32, #tpu.memory_space<vmem_shared>>)
      tpu.yield
    }) : () -> ()
    %barrier3A = arith.constant 0 : index
    tpu.barrier barrier_id(%barrier3A)
    %mul3A_23 = arith.constant 16 : i32
    %mul3A_24 = arith.muli %arg0, %mul3A_23 : i32
    %add3A_25 = arith.addi %mul3A_24, %arg1 : i32
    %mul3A_26 = arith.constant 79 : i32
    %mul3A_27 = arith.muli %add3A_25, %mul3A_26 : i32
    %mul3A_28 = arith.constant 128 : i32
    %mul3A_29 = arith.muli %mul3A_27, %mul3A_28 : i32
    %scan3A_30 = arith.constant 0 : i32
    %scan3A_31 = arith.constant 0 : i32
    %scan3A_32 = arith.constant 39 : i32
    %scan3A_33 = arith.addi %scan3A_31, %scan3A_32 : i32
    %scan3A_34 = arith.constant 1 : i32
    scf.for %scan3A_48 = %scan3A_31 to %scan3A_33 step %scan3A_34  : i32 {
      %mul3A_49 = arith.constant 2 : i32
      %mul3A_50 = arith.muli %mul3A_49, %scan3A_48 : i32
      %mul3A_51 = arith.constant 128 : i32
      %mul3A_52 = arith.muli %mul3A_50, %mul3A_51 : i32
      %add3A_53 = arith.addi %mul3A_29, %mul3A_52 : i32
      "tpu.region"() ({
        %run_scoped3A = tpu.sem_alloc : memref<!tpu.dma_semaphore, #tpu.memory_space<semaphore_mem>>
        %dma_start3A_70 = tpu.memref_slice %arg3[%add3A_53] : memref<323584xi32, #tpu.memory_space<hbm>> -> memref<128xi32, #tpu.memory_space<hbm>>
        %dma_start3A_71 = tpu.memref_slice %arg3[%add3A_53] : memref<323584xi32, #tpu.memory_space<hbm>> -> memref<128xi32, #tpu.memory_space<hbm>>
        tpu.enqueue_dma source(%dma_start3A_71 : memref<128xi32, #tpu.memory_space<hbm>>) target(%arg7 : memref<128xi32, #tpu.memory_space<vmem>>) target_semaphore(%run_scoped3A : memref<!tpu.dma_semaphore, #tpu.memory_space<semaphore_mem>>)
        %dma_wait3A_72 = tpu.memref_slice %arg3[%add3A_53] : memref<323584xi32, #tpu.memory_space<hbm>> -> memref<128xi32, #tpu.memory_space<hbm>>
        %dma_wait3A_73 = tpu.memref_slice %arg3[%add3A_53] : memref<323584xi32, #tpu.memory_space<hbm>> -> memref<128xi32, #tpu.memory_space<hbm>>
        tpu.wait_dma2 semaphore(%run_scoped3A : memref<!tpu.dma_semaphore, #tpu.memory_space<semaphore_mem>>) src(%dma_wait3A_73 : memref<128xi32, #tpu.memory_space<hbm>>) dst(%arg7 : memref<128xi32, #tpu.memory_space<vmem>>)
        tpu.yield
      }) : () -> ()
      "tpu.region"() ({
        %run_scoped3A = tpu.sem_alloc : memref<!tpu.dma_semaphore, #tpu.memory_space<semaphore_mem>>
        %dma_start3A_70 = tpu.memref_slice %arg4[%add3A_53] : memref<323584xi32, #tpu.memory_space<hbm>> -> memref<128xi32, #tpu.memory_space<hbm>>
        %dma_start3A_71 = tpu.memref_slice %arg4[%add3A_53] : memref<323584xi32, #tpu.memory_space<hbm>> -> memref<128xi32, #tpu.memory_space<hbm>>
        tpu.enqueue_dma source(%dma_start3A_71 : memref<128xi32, #tpu.memory_space<hbm>>) target(%arg8 : memref<128xi32, #tpu.memory_space<vmem>>) target_semaphore(%run_scoped3A : memref<!tpu.dma_semaphore, #tpu.memory_space<semaphore_mem>>)
        %dma_wait3A_72 = tpu.memref_slice %arg4[%add3A_53] : memref<323584xi32, #tpu.memory_space<hbm>> -> memref<128xi32, #tpu.memory_space<hbm>>
        %dma_wait3A_73 = tpu.memref_slice %arg4[%add3A_53] : memref<323584xi32, #tpu.memory_space<hbm>> -> memref<128xi32, #tpu.memory_space<hbm>>
        tpu.wait_dma2 semaphore(%run_scoped3A : memref<!tpu.dma_semaphore, #tpu.memory_space<semaphore_mem>>) src(%dma_wait3A_73 : memref<128xi32, #tpu.memory_space<hbm>>) dst(%arg8 : memref<128xi32, #tpu.memory_space<vmem>>)
        tpu.yield
      }) : () -> ()
      %dma_start3A_54 = arith.constant 0 : i32
      %dma_start3A_55 = arith.constant 0 : i32
      %dma_start3A_56 = tpu.memref_slice %arg2[%dma_start3A_54, %dma_start3A_55] : memref<10000x128xf32, #tpu.memory_space<hbm>> -> memref<10000x128xf32, #tpu.memory_space<hbm>>
      tpu.enqueue_indirect_dma source(%dma_start3A_56 : memref<10000x128xf32, #tpu.memory_space<hbm>>) target(%arg11 : memref<128x128xf32, #tpu.memory_space<vmem>>) offsets(%arg7 : memref<128xi32, #tpu.memory_space<vmem>>) semaphore(%arg13 : memref<!tpu.dma_semaphore, #tpu.memory_space<semaphore_mem>>)
      %add3A_57 = arith.constant 128 : i32
      %add3A_58 = arith.addi %add3A_53, %add3A_57 : i32
      "tpu.region"() ({
        %run_scoped3A = tpu.sem_alloc : memref<!tpu.dma_semaphore, #tpu.memory_space<semaphore_mem>>
        %dma_start3A_70 = tpu.memref_slice %arg3[%add3A_58] : memref<323584xi32, #tpu.memory_space<hbm>> -> memref<128xi32, #tpu.memory_space<hbm>>
        %dma_start3A_71 = tpu.memref_slice %arg3[%add3A_58] : memref<323584xi32, #tpu.memory_space<hbm>> -> memref<128xi32, #tpu.memory_space<hbm>>
        tpu.enqueue_dma source(%dma_start3A_71 : memref<128xi32, #tpu.memory_space<hbm>>) target(%arg9 : memref<128xi32, #tpu.memory_space<vmem>>) target_semaphore(%run_scoped3A : memref<!tpu.dma_semaphore, #tpu.memory_space<semaphore_mem>>)
        %dma_wait3A_72 = tpu.memref_slice %arg3[%add3A_58] : memref<323584xi32, #tpu.memory_space<hbm>> -> memref<128xi32, #tpu.memory_space<hbm>>
        %dma_wait3A_73 = tpu.memref_slice %arg3[%add3A_58] : memref<323584xi32, #tpu.memory_space<hbm>> -> memref<128xi32, #tpu.memory_space<hbm>>
        tpu.wait_dma2 semaphore(%run_scoped3A : memref<!tpu.dma_semaphore, #tpu.memory_space<semaphore_mem>>) src(%dma_wait3A_73 : memref<128xi32, #tpu.memory_space<hbm>>) dst(%arg9 : memref<128xi32, #tpu.memory_space<vmem>>)
        tpu.yield
      }) : () -> ()
      %add3A_59 = arith.constant 128 : i32
      %add3A_60 = arith.addi %add3A_53, %add3A_59 : i32
      "tpu.region"() ({
        %run_scoped3A = tpu.sem_alloc : memref<!tpu.dma_semaphore, #tpu.memory_space<semaphore_mem>>
        %dma_start3A_70 = tpu.memref_slice %arg4[%add3A_60] : memref<323584xi32, #tpu.memory_space<hbm>> -> memref<128xi32, #tpu.memory_space<hbm>>
        %dma_start3A_71 = tpu.memref_slice %arg4[%add3A_60] : memref<323584xi32, #tpu.memory_space<hbm>> -> memref<128xi32, #tpu.memory_space<hbm>>
        tpu.enqueue_dma source(%dma_start3A_71 : memref<128xi32, #tpu.memory_space<hbm>>) target(%arg10 : memref<128xi32, #tpu.memory_space<vmem>>) target_semaphore(%run_scoped3A : memref<!tpu.dma_semaphore, #tpu.memory_space<semaphore_mem>>)
        %dma_wait3A_72 = tpu.memref_slice %arg4[%add3A_60] : memref<323584xi32, #tpu.memory_space<hbm>> -> memref<128xi32, #tpu.memory_space<hbm>>
        %dma_wait3A_73 = tpu.memref_slice %arg4[%add3A_60] : memref<323584xi32, #tpu.memory_space<hbm>> -> memref<128xi32, #tpu.memory_space<hbm>>
        tpu.wait_dma2 semaphore(%run_scoped3A : memref<!tpu.dma_semaphore, #tpu.memory_space<semaphore_mem>>) src(%dma_wait3A_73 : memref<128xi32, #tpu.memory_space<hbm>>) dst(%arg10 : memref<128xi32, #tpu.memory_space<vmem>>)
        tpu.yield
      }) : () -> ()
      %dma_start3A_61 = arith.constant 0 : i32
      %dma_start3A_62 = arith.constant 0 : i32
      %dma_start3A_63 = tpu.memref_slice %arg2[%dma_start3A_61, %dma_start3A_62] : memref<10000x128xf32, #tpu.memory_space<hbm>> -> memref<10000x128xf32, #tpu.memory_space<hbm>>
      tpu.enqueue_indirect_dma source(%dma_start3A_63 : memref<10000x128xf32, #tpu.memory_space<hbm>>) target(%arg12 : memref<128x128xf32, #tpu.memory_space<vmem>>) offsets(%arg9 : memref<128xi32, #tpu.memory_space<vmem>>) semaphore(%arg14 : memref<!tpu.dma_semaphore, #tpu.memory_space<semaphore_mem>>)
      %dma_wait3A_64 = arith.constant 0 : i32
      %dma_wait3A_65 = arith.constant 0 : i32
      %dma_wait3A_66 = tpu.memref_slice %arg2[%dma_wait3A_64, %dma_wait3A_65] : memref<10000x128xf32, #tpu.memory_space<hbm>> -> memref<10000x128xf32, #tpu.memory_space<hbm>>
      tpu.wait_indirect_dma semaphore(%arg13 : memref<!tpu.dma_semaphore, #tpu.memory_space<semaphore_mem>>) src(%dma_wait3A_66 : memref<10000x128xf32, #tpu.memory_space<hbm>>) dst(%arg11 : memref<128x128xf32, #tpu.memory_space<vmem>>)
      "tpu.region"() ({
        %run_scoped3A = tpu.sem_alloc : memref<!tpu.dma_semaphore, #tpu.memory_space<semaphore_mem>>
        %dma_start3A_70 = arith.constant 0 : i32
        %dma_start3A_71 = arith.constant 0 : i32
        %dma_start3A_72 = tpu.memref_slice %arg6[%dma_start3A_70, %dma_start3A_71] : memref<10240x128xf32, #tpu.memory_space<vmem_shared>> -> memref<10240x128xf32, #tpu.memory_space<vmem_shared>>
        tpu.enqueue_indirect_dma source(%arg11 : memref<128x128xf32, #tpu.memory_space<vmem>>) target(%dma_start3A_72 : memref<10240x128xf32, #tpu.memory_space<vmem_shared>>) offsets(%arg8 : memref<128xi32, #tpu.memory_space<vmem>>) semaphore(%run_scoped3A : memref<!tpu.dma_semaphore, #tpu.memory_space<semaphore_mem>>) {add = true}
        %dma_wait3A_73 = arith.constant 0 : i32
        %dma_wait3A_74 = arith.constant 0 : i32
        %dma_wait3A_75 = tpu.memref_slice %arg6[%dma_wait3A_73, %dma_wait3A_74] : memref<10240x128xf32, #tpu.memory_space<vmem_shared>> -> memref<10240x128xf32, #tpu.memory_space<vmem_shared>>
        tpu.wait_indirect_dma semaphore(%run_scoped3A : memref<!tpu.dma_semaphore, #tpu.memory_space<semaphore_mem>>) src(%arg11 : memref<128x128xf32, #tpu.memory_space<vmem>>) dst(%dma_wait3A_75 : memref<10240x128xf32, #tpu.memory_space<vmem_shared>>)
        tpu.yield
      }) : () -> ()
      %dma_wait3A_67 = arith.constant 0 : i32
      %dma_wait3A_68 = arith.constant 0 : i32
      %dma_wait3A_69 = tpu.memref_slice %arg2[%dma_wait3A_67, %dma_wait3A_68] : memref<10000x128xf32, #tpu.memory_space<hbm>> -> memref<10000x128xf32, #tpu.memory_space<hbm>>
      tpu.wait_indirect_dma semaphore(%arg14 : memref<!tpu.dma_semaphore, #tpu.memory_space<semaphore_mem>>) src(%dma_wait3A_69 : memref<10000x128xf32, #tpu.memory_space<hbm>>) dst(%arg12 : memref<128x128xf32, #tpu.memory_space<vmem>>)
      "tpu.region"() ({
        %run_scoped3A = tpu.sem_alloc : memref<!tpu.dma_semaphore, #tpu.memory_space<semaphore_mem>>
        %dma_start3A_70 = arith.constant 0 : i32
        %dma_start3A_71 = arith.constant 0 : i32
        %dma_start3A_72 = tpu.memref_slice %arg6[%dma_start3A_70, %dma_start3A_71] : memref<10240x128xf32, #tpu.memory_space<vmem_shared>> -> memref<10240x128xf32, #tpu.memory_space<vmem_shared>>
        tpu.enqueue_indirect_dma source(%arg12 : memref<128x128xf32, #tpu.memory_space<vmem>>) target(%dma_start3A_72 : memref<10240x128xf32, #tpu.memory_space<vmem_shared>>) offsets(%arg10 : memref<128xi32, #tpu.memory_space<vmem>>) semaphore(%run_scoped3A : memref<!tpu.dma_semaphore, #tpu.memory_space<semaphore_mem>>) {add = true}
        %dma_wait3A_73 = arith.constant 0 : i32
        %dma_wait3A_74 = arith.constant 0 : i32
        %dma_wait3A_75 = tpu.memref_slice %arg6[%dma_wait3A_73, %dma_wait3A_74] : memref<10240x128xf32, #tpu.memory_space<vmem_shared>> -> memref<10240x128xf32, #tpu.memory_space<vmem_shared>>
        tpu.wait_indirect_dma semaphore(%run_scoped3A : memref<!tpu.dma_semaphore, #tpu.memory_space<semaphore_mem>>) src(%arg12 : memref<128x128xf32, #tpu.memory_space<vmem>>) dst(%dma_wait3A_75 : memref<10240x128xf32, #tpu.memory_space<vmem_shared>>)
        tpu.yield
      }) : () -> ()
    }
    %scan3A_35 = arith.constant 39 : i32
    %add3A_36 = arith.constant 9984 : i32
    %add3A_37 = arith.addi %mul3A_29, %add3A_36 : i32
    "tpu.region"() ({
      %run_scoped3A = tpu.sem_alloc : memref<!tpu.dma_semaphore, #tpu.memory_space<semaphore_mem>>
      %dma_start3A_48 = tpu.memref_slice %arg3[%add3A_37] : memref<323584xi32, #tpu.memory_space<hbm>> -> memref<128xi32, #tpu.memory_space<hbm>>
      %dma_start3A_49 = tpu.memref_slice %arg3[%add3A_37] : memref<323584xi32, #tpu.memory_space<hbm>> -> memref<128xi32, #tpu.memory_space<hbm>>
      tpu.enqueue_dma source(%dma_start3A_49 : memref<128xi32, #tpu.memory_space<hbm>>) target(%arg7 : memref<128xi32, #tpu.memory_space<vmem>>) target_semaphore(%run_scoped3A : memref<!tpu.dma_semaphore, #tpu.memory_space<semaphore_mem>>)
      %dma_wait3A_50 = tpu.memref_slice %arg3[%add3A_37] : memref<323584xi32, #tpu.memory_space<hbm>> -> memref<128xi32, #tpu.memory_space<hbm>>
      %dma_wait3A_51 = tpu.memref_slice %arg3[%add3A_37] : memref<323584xi32, #tpu.memory_space<hbm>> -> memref<128xi32, #tpu.memory_space<hbm>>
      tpu.wait_dma2 semaphore(%run_scoped3A : memref<!tpu.dma_semaphore, #tpu.memory_space<semaphore_mem>>) src(%dma_wait3A_51 : memref<128xi32, #tpu.memory_space<hbm>>) dst(%arg7 : memref<128xi32, #tpu.memory_space<vmem>>)
      tpu.yield
    }) : () -> ()
    "tpu.region"() ({
      %run_scoped3A = tpu.sem_alloc : memref<!tpu.dma_semaphore, #tpu.memory_space<semaphore_mem>>
      %dma_start3A_48 = tpu.memref_slice %arg4[%add3A_37] : memref<323584xi32, #tpu.memory_space<hbm>> -> memref<128xi32, #tpu.memory_space<hbm>>
      %dma_start3A_49 = tpu.memref_slice %arg4[%add3A_37] : memref<323584xi32, #tpu.memory_space<hbm>> -> memref<128xi32, #tpu.memory_space<hbm>>
      tpu.enqueue_dma source(%dma_start3A_49 : memref<128xi32, #tpu.memory_space<hbm>>) target(%arg8 : memref<128xi32, #tpu.memory_space<vmem>>) target_semaphore(%run_scoped3A : memref<!tpu.dma_semaphore, #tpu.memory_space<semaphore_mem>>)
      %dma_wait3A_50 = tpu.memref_slice %arg4[%add3A_37] : memref<323584xi32, #tpu.memory_space<hbm>> -> memref<128xi32, #tpu.memory_space<hbm>>
      %dma_wait3A_51 = tpu.memref_slice %arg4[%add3A_37] : memref<323584xi32, #tpu.memory_space<hbm>> -> memref<128xi32, #tpu.memory_space<hbm>>
      tpu.wait_dma2 semaphore(%run_scoped3A : memref<!tpu.dma_semaphore, #tpu.memory_space<semaphore_mem>>) src(%dma_wait3A_51 : memref<128xi32, #tpu.memory_space<hbm>>) dst(%arg8 : memref<128xi32, #tpu.memory_space<vmem>>)
      tpu.yield
    }) : () -> ()
    %dma_start3A = arith.constant 0 : i32
    %dma_start3A_38 = arith.constant 0 : i32
    %dma_start3A_39 = tpu.memref_slice %arg2[%dma_start3A, %dma_start3A_38] : memref<10000x128xf32, #tpu.memory_space<hbm>> -> memref<10000x128xf32, #tpu.memory_space<hbm>>
    tpu.enqueue_indirect_dma source(%dma_start3A_39 : memref<10000x128xf32, #tpu.memory_space<hbm>>) target(%arg11 : memref<128x128xf32, #tpu.memory_space<vmem>>) offsets(%arg7 : memref<128xi32, #tpu.memory_space<vmem>>) semaphore(%arg13 : memref<!tpu.dma_semaphore, #tpu.memory_space<semaphore_mem>>)
    %dma_wait3A = arith.constant 0 : i32
    %dma_wait3A_40 = arith.constant 0 : i32
    %dma_wait3A_41 = tpu.memref_slice %arg2[%dma_wait3A, %dma_wait3A_40] : memref<10000x128xf32, #tpu.memory_space<hbm>> -> memref<10000x128xf32, #tpu.memory_space<hbm>>
    tpu.wait_indirect_dma semaphore(%arg13 : memref<!tpu.dma_semaphore, #tpu.memory_space<semaphore_mem>>) src(%dma_wait3A_41 : memref<10000x128xf32, #tpu.memory_space<hbm>>) dst(%arg11 : memref<128x128xf32, #tpu.memory_space<vmem>>)
    "tpu.region"() ({
      %run_scoped3A = tpu.sem_alloc : memref<!tpu.dma_semaphore, #tpu.memory_space<semaphore_mem>>
      %dma_start3A_48 = arith.constant 0 : i32
      %dma_start3A_49 = arith.constant 0 : i32
      %dma_start3A_50 = tpu.memref_slice %arg6[%dma_start3A_48, %dma_start3A_49] : memref<10240x128xf32, #tpu.memory_space<vmem_shared>> -> memref<10240x128xf32, #tpu.memory_space<vmem_shared>>
      tpu.enqueue_indirect_dma source(%arg11 : memref<128x128xf32, #tpu.memory_space<vmem>>) target(%dma_start3A_50 : memref<10240x128xf32, #tpu.memory_space<vmem_shared>>) offsets(%arg8 : memref<128xi32, #tpu.memory_space<vmem>>) semaphore(%run_scoped3A : memref<!tpu.dma_semaphore, #tpu.memory_space<semaphore_mem>>) {add = true}
      %dma_wait3A_51 = arith.constant 0 : i32
      %dma_wait3A_52 = arith.constant 0 : i32
      %dma_wait3A_53 = tpu.memref_slice %arg6[%dma_wait3A_51, %dma_wait3A_52] : memref<10240x128xf32, #tpu.memory_space<vmem_shared>> -> memref<10240x128xf32, #tpu.memory_space<vmem_shared>>
      tpu.wait_indirect_dma semaphore(%run_scoped3A : memref<!tpu.dma_semaphore, #tpu.memory_space<semaphore_mem>>) src(%arg11 : memref<128x128xf32, #tpu.memory_space<vmem>>) dst(%dma_wait3A_53 : memref<10240x128xf32, #tpu.memory_space<vmem_shared>>)
      tpu.yield
    }) : () -> ()
    %barrier3A_42 = arith.constant 0 : index
    tpu.barrier barrier_id(%barrier3A_42)
    %mul3A_43 = arith.constant 640 : i32
    %mul3A_44 = arith.muli %arg1, %mul3A_43 : i32
    %mul3A_45 = arith.constant 10240 : i32
    %mul3A_46 = arith.muli %arg0, %mul3A_45 : i32
    %add3A_47 = arith.addi %mul3A_46, %mul3A_44 : i32
    "tpu.region"() ({
      %run_scoped3A = tpu.sem_alloc : memref<!tpu.dma_semaphore, #tpu.memory_space<semaphore_mem>>
      %dma_start3A_48 = arith.constant 0 : i32
      %dma_start3A_49 = tpu.memref_slice %arg5[%add3A_47, %dma_start3A_48] : memref<20480x128xf32, #tpu.memory_space<hbm>> -> memref<640x128xf32, #tpu.memory_space<hbm>>
      %dma_start3A_50 = arith.constant 0 : i32
      %dma_start3A_51 = tpu.memref_slice %arg6[%mul3A_44, %dma_start3A_50] : memref<10240x128xf32, #tpu.memory_space<vmem_shared>> -> memref<640x128xf32, #tpu.memory_space<vmem_shared>>
      tpu.enqueue_dma source(%dma_start3A_51 : memref<640x128xf32, #tpu.memory_space<vmem_shared>>) target(%dma_start3A_49 : memref<640x128xf32, #tpu.memory_space<hbm>>) target_semaphore(%run_scoped3A : memref<!tpu.dma_semaphore, #tpu.memory_space<semaphore_mem>>)
      %dma_wait3A_52 = arith.constant 0 : i32
      %dma_wait3A_53 = tpu.memref_slice %arg5[%add3A_47, %dma_wait3A_52] : memref<20480x128xf32, #tpu.memory_space<hbm>> -> memref<640x128xf32, #tpu.memory_space<hbm>>
      %dma_wait3A_54 = arith.constant 0 : i32
      %dma_wait3A_55 = tpu.memref_slice %arg6[%mul3A_44, %dma_wait3A_54] : memref<10240x128xf32, #tpu.memory_space<vmem_shared>> -> memref<640x128xf32, #tpu.memory_space<vmem_shared>>
      tpu.wait_dma2 semaphore(%run_scoped3A : memref<!tpu.dma_semaphore, #tpu.memory_space<semaphore_mem>>) src(%dma_wait3A_55 : memref<640x128xf32, #tpu.memory_space<vmem_shared>>) dst(%dma_wait3A_53 : memref<640x128xf32, #tpu.memory_space<hbm>>)
      tpu.yield
    }) : () -> ()
    return
  }
}

#map = affine_map<(d0, d1) -> (0)>
#map1 = affine_map<(d0, d1) -> (0, 0)>
module attributes {stable_mosaic.version = 14 : i64} {
  func.func @deg(%arg0: i32, %arg1: i32, %arg2: memref<323584xi32, #tpu.memory_space<hbm>>, %arg3: memref<20480x128xf32, #tpu.memory_space<hbm>>, %arg4: memref<10240x128xf32, #tpu.memory_space<vmem_shared>>, %arg5: memref<128xi32, #tpu.memory_space<vmem>>, %arg6: memref<128xi32, #tpu.memory_space<vmem>>, %arg7: memref<128x128xf32, #tpu.memory_space<vmem>>) attributes {dimension_semantics = [#tpu.dimension_semantics<core_parallel>, #tpu.dimension_semantics<subcore_parallel>], iteration_bounds = array<i64: 2, 16>, scalar_prefetch = 0 : i64, scratch_operands = 4 : i64, tpu.core_type = #tpu.core_type<sc_vector_subcore>, window_params = [{transform_indices = #map}, {transform_indices = #map1}]} {
    %scan3A = arith.constant 0 : i32
    %scan3A_0 = arith.constant 0 : i32
    %scan3A_1 = arith.constant 128 : i32
    %scan3A_2 = arith.addi %scan3A_0, %scan3A_1 : i32
    %scan3A_3 = arith.constant 1 : i32
    scf.for %scan3A_50 = %scan3A_0 to %scan3A_2 step %scan3A_3  : i32 {
      %broadcast_in_dim3A = arith.constant 0.000000e+00 : f32
      %broadcast_in_dim3A_51 = vector.broadcast %broadcast_in_dim3A : f32 to vector<16xf32>
      %swap3A = arith.index_cast %scan3A_50 : i32 to index
      %swap3A_52 = arith.constant 0 : index
      %swap3A_53 = tpu.vector_load %arg7[%swap3A, %swap3A_52] {strides = array<i32>} : memref<128x128xf32, #tpu.memory_space<vmem>>, vector<1x16xf32>,
      %swap3A_54 = vector.shape_cast %swap3A_53 : vector<1x16xf32> to vector<16xf32>
      %swap3A_55 = vector.shape_cast %broadcast_in_dim3A_51 : vector<16xf32> to vector<1x16xf32>
      tpu.vector_store %arg7[%swap3A, %swap3A_52], %swap3A_55 {strides = array<i32>} : memref<128x128xf32, #tpu.memory_space<vmem>>, vector<1x16xf32>,
      %broadcast_in_dim3A_56 = arith.constant 0.000000e+00 : f32
      %broadcast_in_dim3A_57 = vector.broadcast %broadcast_in_dim3A_56 : f32 to vector<16xf32>
      %swap3A_58 = arith.index_cast %scan3A_50 : i32 to index
      %swap3A_59 = arith.constant 16 : index
      %swap3A_60 = tpu.vector_load %arg7[%swap3A_58, %swap3A_59] {strides = array<i32>} : memref<128x128xf32, #tpu.memory_space<vmem>>, vector<1x16xf32>,
      %swap3A_61 = vector.shape_cast %swap3A_60 : vector<1x16xf32> to vector<16xf32>
      %swap3A_62 = vector.shape_cast %broadcast_in_dim3A_57 : vector<16xf32> to vector<1x16xf32>
      tpu.vector_store %arg7[%swap3A_58, %swap3A_59], %swap3A_62 {strides = array<i32>} : memref<128x128xf32, #tpu.memory_space<vmem>>, vector<1x16xf32>,
      %broadcast_in_dim3A_63 = arith.constant 0.000000e+00 : f32
      %broadcast_in_dim3A_64 = vector.broadcast %broadcast_in_dim3A_63 : f32 to vector<16xf32>
      %swap3A_65 = arith.index_cast %scan3A_50 : i32 to index
      %swap3A_66 = arith.constant 32 : index
      %swap3A_67 = tpu.vector_load %arg7[%swap3A_65, %swap3A_66] {strides = array<i32>} : memref<128x128xf32, #tpu.memory_space<vmem>>, vector<1x16xf32>,
      %swap3A_68 = vector.shape_cast %swap3A_67 : vector<1x16xf32> to vector<16xf32>
      %swap3A_69 = vector.shape_cast %broadcast_in_dim3A_64 : vector<16xf32> to vector<1x16xf32>
      tpu.vector_store %arg7[%swap3A_65, %swap3A_66], %swap3A_69 {strides = array<i32>} : memref<128x128xf32, #tpu.memory_space<vmem>>, vector<1x16xf32>,
      %broadcast_in_dim3A_70 = arith.constant 0.000000e+00 : f32
      %broadcast_in_dim3A_71 = vector.broadcast %broadcast_in_dim3A_70 : f32 to vector<16xf32>
      %swap3A_72 = arith.index_cast %scan3A_50 : i32 to index
      %swap3A_73 = arith.constant 48 : index
      %swap3A_74 = tpu.vector_load %arg7[%swap3A_72, %swap3A_73] {strides = array<i32>} : memref<128x128xf32, #tpu.memory_space<vmem>>, vector<1x16xf32>,
      %swap3A_75 = vector.shape_cast %swap3A_74 : vector<1x16xf32> to vector<16xf32>
      %swap3A_76 = vector.shape_cast %broadcast_in_dim3A_71 : vector<16xf32> to vector<1x16xf32>
      tpu.vector_store %arg7[%swap3A_72, %swap3A_73], %swap3A_76 {strides = array<i32>} : memref<128x128xf32, #tpu.memory_space<vmem>>, vector<1x16xf32>,
      %broadcast_in_dim3A_77 = arith.constant 0.000000e+00 : f32
      %broadcast_in_dim3A_78 = vector.broadcast %broadcast_in_dim3A_77 : f32 to vector<16xf32>
      %swap3A_79 = arith.index_cast %scan3A_50 : i32 to index
      %swap3A_80 = arith.constant 64 : index
      %swap3A_81 = tpu.vector_load %arg7[%swap3A_79, %swap3A_80] {strides = array<i32>} : memref<128x128xf32, #tpu.memory_space<vmem>>, vector<1x16xf32>,
      %swap3A_82 = vector.shape_cast %swap3A_81 : vector<1x16xf32> to vector<16xf32>
      %swap3A_83 = vector.shape_cast %broadcast_in_dim3A_78 : vector<16xf32> to vector<1x16xf32>
      tpu.vector_store %arg7[%swap3A_79, %swap3A_80], %swap3A_83 {strides = array<i32>} : memref<128x128xf32, #tpu.memory_space<vmem>>, vector<1x16xf32>,
      %broadcast_in_dim3A_84 = arith.constant 0.000000e+00 : f32
      %broadcast_in_dim3A_85 = vector.broadcast %broadcast_in_dim3A_84 : f32 to vector<16xf32>
      %swap3A_86 = arith.index_cast %scan3A_50 : i32 to index
      %swap3A_87 = arith.constant 80 : index
      %swap3A_88 = tpu.vector_load %arg7[%swap3A_86, %swap3A_87] {strides = array<i32>} : memref<128x128xf32, #tpu.memory_space<vmem>>, vector<1x16xf32>,
      %swap3A_89 = vector.shape_cast %swap3A_88 : vector<1x16xf32> to vector<16xf32>
      %swap3A_90 = vector.shape_cast %broadcast_in_dim3A_85 : vector<16xf32> to vector<1x16xf32>
      tpu.vector_store %arg7[%swap3A_86, %swap3A_87], %swap3A_90 {strides = array<i32>} : memref<128x128xf32, #tpu.memory_space<vmem>>, vector<1x16xf32>,
      %broadcast_in_dim3A_91 = arith.constant 0.000000e+00 : f32
      %broadcast_in_dim3A_92 = vector.broadcast %broadcast_in_dim3A_91 : f32 to vector<16xf32>
      %swap3A_93 = arith.index_cast %scan3A_50 : i32 to index
      %swap3A_94 = arith.constant 96 : index
      %swap3A_95 = tpu.vector_load %arg7[%swap3A_93, %swap3A_94] {strides = array<i32>} : memref<128x128xf32, #tpu.memory_space<vmem>>, vector<1x16xf32>,
      %swap3A_96 = vector.shape_cast %swap3A_95 : vector<1x16xf32> to vector<16xf32>
      %swap3A_97 = vector.shape_cast %broadcast_in_dim3A_92 : vector<16xf32> to vector<1x16xf32>
      tpu.vector_store %arg7[%swap3A_93, %swap3A_94], %swap3A_97 {strides = array<i32>} : memref<128x128xf32, #tpu.memory_space<vmem>>, vector<1x16xf32>,
      %broadcast_in_dim3A_98 = arith.constant 0.000000e+00 : f32
      %broadcast_in_dim3A_99 = vector.broadcast %broadcast_in_dim3A_98 : f32 to vector<16xf32>
      %swap3A_100 = arith.index_cast %scan3A_50 : i32 to index
      %swap3A_101 = arith.constant 112 : index
      %swap3A_102 = tpu.vector_load %arg7[%swap3A_100, %swap3A_101] {strides = array<i32>} : memref<128x128xf32, #tpu.memory_space<vmem>>, vector<1x16xf32>,
      %swap3A_103 = vector.shape_cast %swap3A_102 : vector<1x16xf32> to vector<16xf32>
      %swap3A_104 = vector.shape_cast %broadcast_in_dim3A_99 : vector<16xf32> to vector<1x16xf32>
      tpu.vector_store %arg7[%swap3A_100, %swap3A_101], %swap3A_104 {strides = array<i32>} : memref<128x128xf32, #tpu.memory_space<vmem>>, vector<1x16xf32>,
    }
    %scan3A_4 = arith.constant 128 : i32
    %mul3A = arith.constant 640 : i32
    %mul3A_5 = arith.muli %arg1, %mul3A : i32
    %add3A = arith.constant 0 : i32
    %add3A_6 = arith.addi %mul3A_5, %add3A : i32
    "tpu.region"() ({
      %run_scoped3A = tpu.sem_alloc : memref<!tpu.dma_semaphore, #tpu.memory_space<semaphore_mem>>
      %dma_start3A = arith.constant 0 : i32
      %dma_start3A_50 = tpu.memref_slice %arg4[%add3A_6, %dma_start3A] : memref<10240x128xf32, #tpu.memory_space<vmem_shared>> -> memref<128x128xf32, #tpu.memory_space<vmem_shared>>
      %dma_start3A_51 = arith.constant 0 : i32
      %dma_start3A_52 = tpu.memref_slice %arg4[%add3A_6, %dma_start3A_51] : memref<10240x128xf32, #tpu.memory_space<vmem_shared>> -> memref<128x128xf32, #tpu.memory_space<vmem_shared>>
      tpu.enqueue_dma source(%arg7 : memref<128x128xf32, #tpu.memory_space<vmem>>) target(%dma_start3A_52 : memref<128x128xf32, #tpu.memory_space<vmem_shared>>) target_semaphore(%run_scoped3A : memref<!tpu.dma_semaphore, #tpu.memory_space<semaphore_mem>>)
      %dma_wait3A = arith.constant 0 : i32
      %dma_wait3A_53 = tpu.memref_slice %arg4[%add3A_6, %dma_wait3A] : memref<10240x128xf32, #tpu.memory_space<vmem_shared>> -> memref<128x128xf32, #tpu.memory_space<vmem_shared>>
      %dma_wait3A_54 = arith.constant 0 : i32
      %dma_wait3A_55 = tpu.memref_slice %arg4[%add3A_6, %dma_wait3A_54] : memref<10240x128xf32, #tpu.memory_space<vmem_shared>> -> memref<128x128xf32, #tpu.memory_space<vmem_shared>>
      tpu.wait_dma2 semaphore(%run_scoped3A : memref<!tpu.dma_semaphore, #tpu.memory_space<semaphore_mem>>) src(%arg7 : memref<128x128xf32, #tpu.memory_space<vmem>>) dst(%dma_wait3A_55 : memref<128x128xf32, #tpu.memory_space<vmem_shared>>)
      tpu.yield
    }) : () -> ()
    %mul3A_7 = arith.constant 640 : i32
    %mul3A_8 = arith.muli %arg1, %mul3A_7 : i32
    %add3A_9 = arith.constant 128 : i32
    %add3A_10 = arith.addi %mul3A_8, %add3A_9 : i32
    "tpu.region"() ({
      %run_scoped3A = tpu.sem_alloc : memref<!tpu.dma_semaphore, #tpu.memory_space<semaphore_mem>>
      %dma_start3A = arith.constant 0 : i32
      %dma_start3A_50 = tpu.memref_slice %arg4[%add3A_10, %dma_start3A] : memref<10240x128xf32, #tpu.memory_space<vmem_shared>> -> memref<128x128xf32, #tpu.memory_space<vmem_shared>>
      %dma_start3A_51 = arith.constant 0 : i32
      %dma_start3A_52 = tpu.memref_slice %arg4[%add3A_10, %dma_start3A_51] : memref<10240x128xf32, #tpu.memory_space<vmem_shared>> -> memref<128x128xf32, #tpu.memory_space<vmem_shared>>
      tpu.enqueue_dma source(%arg7 : memref<128x128xf32, #tpu.memory_space<vmem>>) target(%dma_start3A_52 : memref<128x128xf32, #tpu.memory_space<vmem_shared>>) target_semaphore(%run_scoped3A : memref<!tpu.dma_semaphore, #tpu.memory_space<semaphore_mem>>)
      %dma_wait3A = arith.constant 0 : i32
      %dma_wait3A_53 = tpu.memref_slice %arg4[%add3A_10, %dma_wait3A] : memref<10240x128xf32, #tpu.memory_space<vmem_shared>> -> memref<128x128xf32, #tpu.memory_space<vmem_shared>>
      %dma_wait3A_54 = arith.constant 0 : i32
      %dma_wait3A_55 = tpu.memref_slice %arg4[%add3A_10, %dma_wait3A_54] : memref<10240x128xf32, #tpu.memory_space<vmem_shared>> -> memref<128x128xf32, #tpu.memory_space<vmem_shared>>
      tpu.wait_dma2 semaphore(%run_scoped3A : memref<!tpu.dma_semaphore, #tpu.memory_space<semaphore_mem>>) src(%arg7 : memref<128x128xf32, #tpu.memory_space<vmem>>) dst(%dma_wait3A_55 : memref<128x128xf32, #tpu.memory_space<vmem_shared>>)
      tpu.yield
    }) : () -> ()
    %mul3A_11 = arith.constant 640 : i32
    %mul3A_12 = arith.muli %arg1, %mul3A_11 : i32
    %add3A_13 = arith.constant 256 : i32
    %add3A_14 = arith.addi %mul3A_12, %add3A_13 : i32
    "tpu.region"() ({
      %run_scoped3A = tpu.sem_alloc : memref<!tpu.dma_semaphore, #tpu.memory_space<semaphore_mem>>
      %dma_start3A = arith.constant 0 : i32
      %dma_start3A_50 = tpu.memref_slice %arg4[%add3A_14, %dma_start3A] : memref<10240x128xf32, #tpu.memory_space<vmem_shared>> -> memref<128x128xf32, #tpu.memory_space<vmem_shared>>
      %dma_start3A_51 = arith.constant 0 : i32
      %dma_start3A_52 = tpu.memref_slice %arg4[%add3A_14, %dma_start3A_51] : memref<10240x128xf32, #tpu.memory_space<vmem_shared>> -> memref<128x128xf32, #tpu.memory_space<vmem_shared>>
      tpu.enqueue_dma source(%arg7 : memref<128x128xf32, #tpu.memory_space<vmem>>) target(%dma_start3A_52 : memref<128x128xf32, #tpu.memory_space<vmem_shared>>) target_semaphore(%run_scoped3A : memref<!tpu.dma_semaphore, #tpu.memory_space<semaphore_mem>>)
      %dma_wait3A = arith.constant 0 : i32
      %dma_wait3A_53 = tpu.memref_slice %arg4[%add3A_14, %dma_wait3A] : memref<10240x128xf32, #tpu.memory_space<vmem_shared>> -> memref<128x128xf32, #tpu.memory_space<vmem_shared>>
      %dma_wait3A_54 = arith.constant 0 : i32
      %dma_wait3A_55 = tpu.memref_slice %arg4[%add3A_14, %dma_wait3A_54] : memref<10240x128xf32, #tpu.memory_space<vmem_shared>> -> memref<128x128xf32, #tpu.memory_space<vmem_shared>>
      tpu.wait_dma2 semaphore(%run_scoped3A : memref<!tpu.dma_semaphore, #tpu.memory_space<semaphore_mem>>) src(%arg7 : memref<128x128xf32, #tpu.memory_space<vmem>>) dst(%dma_wait3A_55 : memref<128x128xf32, #tpu.memory_space<vmem_shared>>)
      tpu.yield
    }) : () -> ()
    %mul3A_15 = arith.constant 640 : i32
    %mul3A_16 = arith.muli %arg1, %mul3A_15 : i32
    %add3A_17 = arith.constant 384 : i32
    %add3A_18 = arith.addi %mul3A_16, %add3A_17 : i32
    "tpu.region"() ({
      %run_scoped3A = tpu.sem_alloc : memref<!tpu.dma_semaphore, #tpu.memory_space<semaphore_mem>>
      %dma_start3A = arith.constant 0 : i32
      %dma_start3A_50 = tpu.memref_slice %arg4[%add3A_18, %dma_start3A] : memref<10240x128xf32, #tpu.memory_space<vmem_shared>> -> memref<128x128xf32, #tpu.memory_space<vmem_shared>>
      %dma_start3A_51 = arith.constant 0 : i32
      %dma_start3A_52 = tpu.memref_slice %arg4[%add3A_18, %dma_start3A_51] : memref<10240x128xf32, #tpu.memory_space<vmem_shared>> -> memref<128x128xf32, #tpu.memory_space<vmem_shared>>
      tpu.enqueue_dma source(%arg7 : memref<128x128xf32, #tpu.memory_space<vmem>>) target(%dma_start3A_52 : memref<128x128xf32, #tpu.memory_space<vmem_shared>>) target_semaphore(%run_scoped3A : memref<!tpu.dma_semaphore, #tpu.memory_space<semaphore_mem>>)
      %dma_wait3A = arith.constant 0 : i32
      %dma_wait3A_53 = tpu.memref_slice %arg4[%add3A_18, %dma_wait3A] : memref<10240x128xf32, #tpu.memory_space<vmem_shared>> -> memref<128x128xf32, #tpu.memory_space<vmem_shared>>
      %dma_wait3A_54 = arith.constant 0 : i32
      %dma_wait3A_55 = tpu.memref_slice %arg4[%add3A_18, %dma_wait3A_54] : memref<10240x128xf32, #tpu.memory_space<vmem_shared>> -> memref<128x128xf32, #tpu.memory_space<vmem_shared>>
      tpu.wait_dma2 semaphore(%run_scoped3A : memref<!tpu.dma_semaphore, #tpu.memory_space<semaphore_mem>>) src(%arg7 : memref<128x128xf32, #tpu.memory_space<vmem>>) dst(%dma_wait3A_55 : memref<128x128xf32, #tpu.memory_space<vmem_shared>>)
      tpu.yield
    }) : () -> ()
    %mul3A_19 = arith.constant 640 : i32
    %mul3A_20 = arith.muli %arg1, %mul3A_19 : i32
    %add3A_21 = arith.constant 512 : i32
    %add3A_22 = arith.addi %mul3A_20, %add3A_21 : i32
    "tpu.region"() ({
      %run_scoped3A = tpu.sem_alloc : memref<!tpu.dma_semaphore, #tpu.memory_space<semaphore_mem>>
      %dma_start3A = arith.constant 0 : i32
      %dma_start3A_50 = tpu.memref_slice %arg4[%add3A_22, %dma_start3A] : memref<10240x128xf32, #tpu.memory_space<vmem_shared>> -> memref<128x128xf32, #tpu.memory_space<vmem_shared>>
      %dma_start3A_51 = arith.constant 0 : i32
      %dma_start3A_52 = tpu.memref_slice %arg4[%add3A_22, %dma_start3A_51] : memref<10240x128xf32, #tpu.memory_space<vmem_shared>> -> memref<128x128xf32, #tpu.memory_space<vmem_shared>>
      tpu.enqueue_dma source(%arg7 : memref<128x128xf32, #tpu.memory_space<vmem>>) target(%dma_start3A_52 : memref<128x128xf32, #tpu.memory_space<vmem_shared>>) target_semaphore(%run_scoped3A : memref<!tpu.dma_semaphore, #tpu.memory_space<semaphore_mem>>)
      %dma_wait3A = arith.constant 0 : i32
      %dma_wait3A_53 = tpu.memref_slice %arg4[%add3A_22, %dma_wait3A] : memref<10240x128xf32, #tpu.memory_space<vmem_shared>> -> memref<128x128xf32, #tpu.memory_space<vmem_shared>>
      %dma_wait3A_54 = arith.constant 0 : i32
      %dma_wait3A_55 = tpu.memref_slice %arg4[%add3A_22, %dma_wait3A_54] : memref<10240x128xf32, #tpu.memory_space<vmem_shared>> -> memref<128x128xf32, #tpu.memory_space<vmem_shared>>
      tpu.wait_dma2 semaphore(%run_scoped3A : memref<!tpu.dma_semaphore, #tpu.memory_space<semaphore_mem>>) src(%arg7 : memref<128x128xf32, #tpu.memory_space<vmem>>) dst(%dma_wait3A_55 : memref<128x128xf32, #tpu.memory_space<vmem_shared>>)
      tpu.yield
    }) : () -> ()
    %scan3A_23 = arith.constant 0 : i32
    %scan3A_24 = arith.constant 0 : i32
    %scan3A_25 = arith.constant 128 : i32
    %scan3A_26 = arith.addi %scan3A_24, %scan3A_25 : i32
    %scan3A_27 = arith.constant 1 : i32
    scf.for %scan3A_50 = %scan3A_24 to %scan3A_26 step %scan3A_27  : i32 {
      %broadcast_in_dim3A = arith.constant 1.000000e+00 : f32
      %broadcast_in_dim3A_51 = vector.broadcast %broadcast_in_dim3A : f32 to vector<16xf32>
      %swap3A = arith.index_cast %scan3A_50 : i32 to index
      %swap3A_52 = arith.constant 0 : index
      %swap3A_53 = tpu.vector_load %arg7[%swap3A, %swap3A_52] {strides = array<i32>} : memref<128x128xf32, #tpu.memory_space<vmem>>, vector<1x16xf32>,
      %swap3A_54 = vector.shape_cast %swap3A_53 : vector<1x16xf32> to vector<16xf32>
      %swap3A_55 = vector.shape_cast %broadcast_in_dim3A_51 : vector<16xf32> to vector<1x16xf32>
      tpu.vector_store %arg7[%swap3A, %swap3A_52], %swap3A_55 {strides = array<i32>} : memref<128x128xf32, #tpu.memory_space<vmem>>, vector<1x16xf32>,
      %broadcast_in_dim3A_56 = arith.constant 1.000000e+00 : f32
      %broadcast_in_dim3A_57 = vector.broadcast %broadcast_in_dim3A_56 : f32 to vector<16xf32>
      %swap3A_58 = arith.index_cast %scan3A_50 : i32 to index
      %swap3A_59 = arith.constant 16 : index
      %swap3A_60 = tpu.vector_load %arg7[%swap3A_58, %swap3A_59] {strides = array<i32>} : memref<128x128xf32, #tpu.memory_space<vmem>>, vector<1x16xf32>,
      %swap3A_61 = vector.shape_cast %swap3A_60 : vector<1x16xf32> to vector<16xf32>
      %swap3A_62 = vector.shape_cast %broadcast_in_dim3A_57 : vector<16xf32> to vector<1x16xf32>
      tpu.vector_store %arg7[%swap3A_58, %swap3A_59], %swap3A_62 {strides = array<i32>} : memref<128x128xf32, #tpu.memory_space<vmem>>, vector<1x16xf32>,
      %broadcast_in_dim3A_63 = arith.constant 1.000000e+00 : f32
      %broadcast_in_dim3A_64 = vector.broadcast %broadcast_in_dim3A_63 : f32 to vector<16xf32>
      %swap3A_65 = arith.index_cast %scan3A_50 : i32 to index
      %swap3A_66 = arith.constant 32 : index
      %swap3A_67 = tpu.vector_load %arg7[%swap3A_65, %swap3A_66] {strides = array<i32>} : memref<128x128xf32, #tpu.memory_space<vmem>>, vector<1x16xf32>,
      %swap3A_68 = vector.shape_cast %swap3A_67 : vector<1x16xf32> to vector<16xf32>
      %swap3A_69 = vector.shape_cast %broadcast_in_dim3A_64 : vector<16xf32> to vector<1x16xf32>
      tpu.vector_store %arg7[%swap3A_65, %swap3A_66], %swap3A_69 {strides = array<i32>} : memref<128x128xf32, #tpu.memory_space<vmem>>, vector<1x16xf32>,
      %broadcast_in_dim3A_70 = arith.constant 1.000000e+00 : f32
      %broadcast_in_dim3A_71 = vector.broadcast %broadcast_in_dim3A_70 : f32 to vector<16xf32>
      %swap3A_72 = arith.index_cast %scan3A_50 : i32 to index
      %swap3A_73 = arith.constant 48 : index
      %swap3A_74 = tpu.vector_load %arg7[%swap3A_72, %swap3A_73] {strides = array<i32>} : memref<128x128xf32, #tpu.memory_space<vmem>>, vector<1x16xf32>,
      %swap3A_75 = vector.shape_cast %swap3A_74 : vector<1x16xf32> to vector<16xf32>
      %swap3A_76 = vector.shape_cast %broadcast_in_dim3A_71 : vector<16xf32> to vector<1x16xf32>
      tpu.vector_store %arg7[%swap3A_72, %swap3A_73], %swap3A_76 {strides = array<i32>} : memref<128x128xf32, #tpu.memory_space<vmem>>, vector<1x16xf32>,
      %broadcast_in_dim3A_77 = arith.constant 1.000000e+00 : f32
      %broadcast_in_dim3A_78 = vector.broadcast %broadcast_in_dim3A_77 : f32 to vector<16xf32>
      %swap3A_79 = arith.index_cast %scan3A_50 : i32 to index
      %swap3A_80 = arith.constant 64 : index
      %swap3A_81 = tpu.vector_load %arg7[%swap3A_79, %swap3A_80] {strides = array<i32>} : memref<128x128xf32, #tpu.memory_space<vmem>>, vector<1x16xf32>,
      %swap3A_82 = vector.shape_cast %swap3A_81 : vector<1x16xf32> to vector<16xf32>
      %swap3A_83 = vector.shape_cast %broadcast_in_dim3A_78 : vector<16xf32> to vector<1x16xf32>
      tpu.vector_store %arg7[%swap3A_79, %swap3A_80], %swap3A_83 {strides = array<i32>} : memref<128x128xf32, #tpu.memory_space<vmem>>, vector<1x16xf32>,
      %broadcast_in_dim3A_84 = arith.constant 1.000000e+00 : f32
      %broadcast_in_dim3A_85 = vector.broadcast %broadcast_in_dim3A_84 : f32 to vector<16xf32>
      %swap3A_86 = arith.index_cast %scan3A_50 : i32 to index
      %swap3A_87 = arith.constant 80 : index
      %swap3A_88 = tpu.vector_load %arg7[%swap3A_86, %swap3A_87] {strides = array<i32>} : memref<128x128xf32, #tpu.memory_space<vmem>>, vector<1x16xf32>,
      %swap3A_89 = vector.shape_cast %swap3A_88 : vector<1x16xf32> to vector<16xf32>
      %swap3A_90 = vector.shape_cast %broadcast_in_dim3A_85 : vector<16xf32> to vector<1x16xf32>
      tpu.vector_store %arg7[%swap3A_86, %swap3A_87], %swap3A_90 {strides = array<i32>} : memref<128x128xf32, #tpu.memory_space<vmem>>, vector<1x16xf32>,
      %broadcast_in_dim3A_91 = arith.constant 1.000000e+00 : f32
      %broadcast_in_dim3A_92 = vector.broadcast %broadcast_in_dim3A_91 : f32 to vector<16xf32>
      %swap3A_93 = arith.index_cast %scan3A_50 : i32 to index
      %swap3A_94 = arith.constant 96 : index
      %swap3A_95 = tpu.vector_load %arg7[%swap3A_93, %swap3A_94] {strides = array<i32>} : memref<128x128xf32, #tpu.memory_space<vmem>>, vector<1x16xf32>,
      %swap3A_96 = vector.shape_cast %swap3A_95 : vector<1x16xf32> to vector<16xf32>
      %swap3A_97 = vector.shape_cast %broadcast_in_dim3A_92 : vector<16xf32> to vector<1x16xf32>
      tpu.vector_store %arg7[%swap3A_93, %swap3A_94], %swap3A_97 {strides = array<i32>} : memref<128x128xf32, #tpu.memory_space<vmem>>, vector<1x16xf32>,
      %broadcast_in_dim3A_98 = arith.constant 1.000000e+00 : f32
      %broadcast_in_dim3A_99 = vector.broadcast %broadcast_in_dim3A_98 : f32 to vector<16xf32>
      %swap3A_100 = arith.index_cast %scan3A_50 : i32 to index
      %swap3A_101 = arith.constant 112 : index
      %swap3A_102 = tpu.vector_load %arg7[%swap3A_100, %swap3A_101] {strides = array<i32>} : memref<128x128xf32, #tpu.memory_space<vmem>>, vector<1x16xf32>,
      %swap3A_103 = vector.shape_cast %swap3A_102 : vector<1x16xf32> to vector<16xf32>
      %swap3A_104 = vector.shape_cast %broadcast_in_dim3A_99 : vector<16xf32> to vector<1x16xf32>
      tpu.vector_store %arg7[%swap3A_100, %swap3A_101], %swap3A_104 {strides = array<i32>} : memref<128x128xf32, #tpu.memory_space<vmem>>, vector<1x16xf32>,
    }
    %scan3A_28 = arith.constant 128 : i32
    %barrier3A = arith.constant 0 : index
    tpu.barrier barrier_id(%barrier3A)
    %mul3A_29 = arith.constant 16 : i32
    %mul3A_30 = arith.muli %arg0, %mul3A_29 : i32
    %add3A_31 = arith.addi %mul3A_30, %arg1 : i32
    %mul3A_32 = arith.constant 79 : i32
    %mul3A_33 = arith.muli %add3A_31, %mul3A_32 : i32
    %mul3A_34 = arith.constant 128 : i32
    %mul3A_35 = arith.muli %mul3A_33, %mul3A_34 : i32
    %scan3A_36 = arith.constant 0 : i32
    %scan3A_37 = arith.constant 0 : i32
    %scan3A_38 = arith.constant 39 : i32
    %scan3A_39 = arith.addi %scan3A_37, %scan3A_38 : i32
    %scan3A_40 = arith.constant 1 : i32
    scf.for %scan3A_50 = %scan3A_37 to %scan3A_39 step %scan3A_40  : i32 {
      %mul3A_51 = arith.constant 2 : i32
      %mul3A_52 = arith.muli %mul3A_51, %scan3A_50 : i32
      %mul3A_53 = arith.constant 128 : i32
      %mul3A_54 = arith.muli %mul3A_52, %mul3A_53 : i32
      %add3A_55 = arith.addi %mul3A_35, %mul3A_54 : i32
      "tpu.region"() ({
        %run_scoped3A = tpu.sem_alloc : memref<!tpu.dma_semaphore, #tpu.memory_space<semaphore_mem>>
        %dma_start3A = tpu.memref_slice %arg2[%add3A_55] : memref<323584xi32, #tpu.memory_space<hbm>> -> memref<128xi32, #tpu.memory_space<hbm>>
        %dma_start3A_58 = tpu.memref_slice %arg2[%add3A_55] : memref<323584xi32, #tpu.memory_space<hbm>> -> memref<128xi32, #tpu.memory_space<hbm>>
        tpu.enqueue_dma source(%dma_start3A_58 : memref<128xi32, #tpu.memory_space<hbm>>) target(%arg5 : memref<128xi32, #tpu.memory_space<vmem>>) target_semaphore(%run_scoped3A : memref<!tpu.dma_semaphore, #tpu.memory_space<semaphore_mem>>)
        %dma_wait3A = tpu.memref_slice %arg2[%add3A_55] : memref<323584xi32, #tpu.memory_space<hbm>> -> memref<128xi32, #tpu.memory_space<hbm>>
        %dma_wait3A_59 = tpu.memref_slice %arg2[%add3A_55] : memref<323584xi32, #tpu.memory_space<hbm>> -> memref<128xi32, #tpu.memory_space<hbm>>
        tpu.wait_dma2 semaphore(%run_scoped3A : memref<!tpu.dma_semaphore, #tpu.memory_space<semaphore_mem>>) src(%dma_wait3A_59 : memref<128xi32, #tpu.memory_space<hbm>>) dst(%arg5 : memref<128xi32, #tpu.memory_space<vmem>>)
        tpu.yield
      }) : () -> ()
      %add3A_56 = arith.constant 128 : i32
      %add3A_57 = arith.addi %add3A_55, %add3A_56 : i32
      "tpu.region"() ({
        %run_scoped3A = tpu.sem_alloc : memref<!tpu.dma_semaphore, #tpu.memory_space<semaphore_mem>>
        %dma_start3A = tpu.memref_slice %arg2[%add3A_57] : memref<323584xi32, #tpu.memory_space<hbm>> -> memref<128xi32, #tpu.memory_space<hbm>>
        %dma_start3A_58 = tpu.memref_slice %arg2[%add3A_57] : memref<323584xi32, #tpu.memory_space<hbm>> -> memref<128xi32, #tpu.memory_space<hbm>>
        tpu.enqueue_dma source(%dma_start3A_58 : memref<128xi32, #tpu.memory_space<hbm>>) target(%arg6 : memref<128xi32, #tpu.memory_space<vmem>>) target_semaphore(%run_scoped3A : memref<!tpu.dma_semaphore, #tpu.memory_space<semaphore_mem>>)
        %dma_wait3A = tpu.memref_slice %arg2[%add3A_57] : memref<323584xi32, #tpu.memory_space<hbm>> -> memref<128xi32, #tpu.memory_space<hbm>>
        %dma_wait3A_59 = tpu.memref_slice %arg2[%add3A_57] : memref<323584xi32, #tpu.memory_space<hbm>> -> memref<128xi32, #tpu.memory_space<hbm>>
        tpu.wait_dma2 semaphore(%run_scoped3A : memref<!tpu.dma_semaphore, #tpu.memory_space<semaphore_mem>>) src(%dma_wait3A_59 : memref<128xi32, #tpu.memory_space<hbm>>) dst(%arg6 : memref<128xi32, #tpu.memory_space<vmem>>)
        tpu.yield
      }) : () -> ()
      "tpu.region"() ({
        %run_scoped3A = tpu.sem_alloc : memref<!tpu.dma_semaphore, #tpu.memory_space<semaphore_mem>>
        %dma_start3A = arith.constant 0 : i32
        %dma_start3A_58 = arith.constant 0 : i32
        %dma_start3A_59 = tpu.memref_slice %arg4[%dma_start3A, %dma_start3A_58] : memref<10240x128xf32, #tpu.memory_space<vmem_shared>> -> memref<10240x128xf32, #tpu.memory_space<vmem_shared>>
        tpu.enqueue_indirect_dma source(%arg7 : memref<128x128xf32, #tpu.memory_space<vmem>>) target(%dma_start3A_59 : memref<10240x128xf32, #tpu.memory_space<vmem_shared>>) offsets(%arg5 : memref<128xi32, #tpu.memory_space<vmem>>) semaphore(%run_scoped3A : memref<!tpu.dma_semaphore, #tpu.memory_space<semaphore_mem>>) {add = true}
        %dma_wait3A = arith.constant 0 : i32
        %dma_wait3A_60 = arith.constant 0 : i32
        %dma_wait3A_61 = tpu.memref_slice %arg4[%dma_wait3A, %dma_wait3A_60] : memref<10240x128xf32, #tpu.memory_space<vmem_shared>> -> memref<10240x128xf32, #tpu.memory_space<vmem_shared>>
        tpu.wait_indirect_dma semaphore(%run_scoped3A : memref<!tpu.dma_semaphore, #tpu.memory_space<semaphore_mem>>) src(%arg7 : memref<128x128xf32, #tpu.memory_space<vmem>>) dst(%dma_wait3A_61 : memref<10240x128xf32, #tpu.memory_space<vmem_shared>>)
        tpu.yield
      }) : () -> ()
      "tpu.region"() ({
        %run_scoped3A = tpu.sem_alloc : memref<!tpu.dma_semaphore, #tpu.memory_space<semaphore_mem>>
        %dma_start3A = arith.constant 0 : i32
        %dma_start3A_58 = arith.constant 0 : i32
        %dma_start3A_59 = tpu.memref_slice %arg4[%dma_start3A, %dma_start3A_58] : memref<10240x128xf32, #tpu.memory_space<vmem_shared>> -> memref<10240x128xf32, #tpu.memory_space<vmem_shared>>
        tpu.enqueue_indirect_dma source(%arg7 : memref<128x128xf32, #tpu.memory_space<vmem>>) target(%dma_start3A_59 : memref<10240x128xf32, #tpu.memory_space<vmem_shared>>) offsets(%arg6 : memref<128xi32, #tpu.memory_space<vmem>>) semaphore(%run_scoped3A : memref<!tpu.dma_semaphore, #tpu.memory_space<semaphore_mem>>) {add = true}
        %dma_wait3A = arith.constant 0 : i32
        %dma_wait3A_60 = arith.constant 0 : i32
        %dma_wait3A_61 = tpu.memref_slice %arg4[%dma_wait3A, %dma_wait3A_60] : memref<10240x128xf32, #tpu.memory_space<vmem_shared>> -> memref<10240x128xf32, #tpu.memory_space<vmem_shared>>
        tpu.wait_indirect_dma semaphore(%run_scoped3A : memref<!tpu.dma_semaphore, #tpu.memory_space<semaphore_mem>>) src(%arg7 : memref<128x128xf32, #tpu.memory_space<vmem>>) dst(%dma_wait3A_61 : memref<10240x128xf32, #tpu.memory_space<vmem_shared>>)
        tpu.yield
      }) : () -> ()
    }
    %scan3A_41 = arith.constant 39 : i32
    %add3A_42 = arith.constant 9984 : i32
    %add3A_43 = arith.addi %mul3A_35, %add3A_42 : i32
    "tpu.region"() ({
      %run_scoped3A = tpu.sem_alloc : memref<!tpu.dma_semaphore, #tpu.memory_space<semaphore_mem>>
      %dma_start3A = tpu.memref_slice %arg2[%add3A_43] : memref<323584xi32, #tpu.memory_space<hbm>> -> memref<128xi32, #tpu.memory_space<hbm>>
      %dma_start3A_50 = tpu.memref_slice %arg2[%add3A_43] : memref<323584xi32, #tpu.memory_space<hbm>> -> memref<128xi32, #tpu.memory_space<hbm>>
      tpu.enqueue_dma source(%dma_start3A_50 : memref<128xi32, #tpu.memory_space<hbm>>) target(%arg5 : memref<128xi32, #tpu.memory_space<vmem>>) target_semaphore(%run_scoped3A : memref<!tpu.dma_semaphore, #tpu.memory_space<semaphore_mem>>)
      %dma_wait3A = tpu.memref_slice %arg2[%add3A_43] : memref<323584xi32, #tpu.memory_space<hbm>> -> memref<128xi32, #tpu.memory_space<hbm>>
      %dma_wait3A_51 = tpu.memref_slice %arg2[%add3A_43] : memref<323584xi32, #tpu.memory_space<hbm>> -> memref<128xi32, #tpu.memory_space<hbm>>
      tpu.wait_dma2 semaphore(%run_scoped3A : memref<!tpu.dma_semaphore, #tpu.memory_space<semaphore_mem>>) src(%dma_wait3A_51 : memref<128xi32, #tpu.memory_space<hbm>>) dst(%arg5 : memref<128xi32, #tpu.memory_space<vmem>>)
      tpu.yield
    }) : () -> ()
    "tpu.region"() ({
      %run_scoped3A = tpu.sem_alloc : memref<!tpu.dma_semaphore, #tpu.memory_space<semaphore_mem>>
      %dma_start3A = arith.constant 0 : i32
      %dma_start3A_50 = arith.constant 0 : i32
      %dma_start3A_51 = tpu.memref_slice %arg4[%dma_start3A, %dma_start3A_50] : memref<10240x128xf32, #tpu.memory_space<vmem_shared>> -> memref<10240x128xf32, #tpu.memory_space<vmem_shared>>
      tpu.enqueue_indirect_dma source(%arg7 : memref<128x128xf32, #tpu.memory_space<vmem>>) target(%dma_start3A_51 : memref<10240x128xf32, #tpu.memory_space<vmem_shared>>) offsets(%arg5 : memref<128xi32, #tpu.memory_space<vmem>>) semaphore(%run_scoped3A : memref<!tpu.dma_semaphore, #tpu.memory_space<semaphore_mem>>) {add = true}
      %dma_wait3A = arith.constant 0 : i32
      %dma_wait3A_52 = arith.constant 0 : i32
      %dma_wait3A_53 = tpu.memref_slice %arg4[%dma_wait3A, %dma_wait3A_52] : memref<10240x128xf32, #tpu.memory_space<vmem_shared>> -> memref<10240x128xf32, #tpu.memory_space<vmem_shared>>
      tpu.wait_indirect_dma semaphore(%run_scoped3A : memref<!tpu.dma_semaphore, #tpu.memory_space<semaphore_mem>>) src(%arg7 : memref<128x128xf32, #tpu.memory_space<vmem>>) dst(%dma_wait3A_53 : memref<10240x128xf32, #tpu.memory_space<vmem_shared>>)
      tpu.yield
    }) : () -> ()
    %barrier3A_44 = arith.constant 0 : index
    tpu.barrier barrier_id(%barrier3A_44)
    %mul3A_45 = arith.constant 640 : i32
    %mul3A_46 = arith.muli %arg1, %mul3A_45 : i32
    %mul3A_47 = arith.constant 10240 : i32
    %mul3A_48 = arith.muli %arg0, %mul3A_47 : i32
    %add3A_49 = arith.addi %mul3A_48, %mul3A_46 : i32
    "tpu.region"() ({
      %run_scoped3A = tpu.sem_alloc : memref<!tpu.dma_semaphore, #tpu.memory_space<semaphore_mem>>
      %dma_start3A = arith.constant 0 : i32
      %dma_start3A_50 = tpu.memref_slice %arg3[%add3A_49, %dma_start3A] : memref<20480x128xf32, #tpu.memory_space<hbm>> -> memref<640x128xf32, #tpu.memory_space<hbm>>
      %dma_start3A_51 = arith.constant 0 : i32
      %dma_start3A_52 = tpu.memref_slice %arg4[%mul3A_46, %dma_start3A_51] : memref<10240x128xf32, #tpu.memory_space<vmem_shared>> -> memref<640x128xf32, #tpu.memory_space<vmem_shared>>
      tpu.enqueue_dma source(%dma_start3A_52 : memref<640x128xf32, #tpu.memory_space<vmem_shared>>) target(%dma_start3A_50 : memref<640x128xf32, #tpu.memory_space<hbm>>) target_semaphore(%run_scoped3A : memref<!tpu.dma_semaphore, #tpu.memory_space<semaphore_mem>>)
      %dma_wait3A = arith.constant 0 : i32
      %dma_wait3A_53 = tpu.memref_slice %arg3[%add3A_49, %dma_wait3A] : memref<20480x128xf32, #tpu.memory_space<hbm>> -> memref<640x128xf32, #tpu.memory_space<hbm>>
      %dma_wait3A_54 = arith.constant 0 : i32
      %dma_wait3A_55 = tpu.memref_slice %arg4[%mul3A_46, %dma_wait3A_54] : memref<10240x128xf32, #tpu.memory_space<vmem_shared>> -> memref<640x128xf32, #tpu.memory_space<vmem_shared>>
      tpu.wait_dma2 semaphore(%run_scoped3A : memref<!tpu.dma_semaphore, #tpu.memory_space<semaphore_mem>>) src(%dma_wait3A_55 : memref<640x128xf32, #tpu.memory_space<vmem_shared>>) dst(%dma_wait3A_53 : memref<640x128xf32, #tpu.memory_space<hbm>>)
      tpu.yield
    }) : () -> ()
    return
  }
}

module attributes {stable_mosaic.version = 14 : i64} {
  func.func @body(%arg0: i32, %arg1: memref<400x128xf32, #tpu.memory_space<vmem>>, %arg2: memref<2x400x128xf32, #tpu.memory_space<vmem>>, %arg3: memref<2x400x128xf32, #tpu.memory_space<vmem>>, %arg4: memref<128x128xf32, #tpu.memory_space<vmem>>, %arg5: memref<128x128xf32, #tpu.memory_space<vmem>>, %arg6: memref<1x128xf32, #tpu.memory_space<vmem>>, %arg7: memref<400x128xf32, #tpu.memory_space<vmem>>) attributes {dimension_semantics = [#tpu.dimension_semantics<arbitrary>], iteration_bounds = array<i64: 25>, scalar_prefetch = 0 : i64, scratch_operands = 0 : i64, tpu.core_type = #tpu.core_type<tc>, window_params = [{transform_indices = @transform_0, window_bounds = array<i64: 400, 128>}, {transform_indices = @transform_1, window_bounds = array<i64: 2, 400, 128>}, {transform_indices = @transform_2, window_bounds = array<i64: 2, 400, 128>}, {pipeline_mode = #tpu.pipeline_mode<synchronous>, transform_indices = @transform_3, window_bounds = array<i64: 128, 128>}, {pipeline_mode = #tpu.pipeline_mode<synchronous>, transform_indices = @transform_4, window_bounds = array<i64: 128, 128>}, {pipeline_mode = #tpu.pipeline_mode<synchronous>, transform_indices = @transform_5, window_bounds = array<i64: 1, 128>}, {transform_indices = @transform_6, window_bounds = array<i64: 400, 128>}]} {
    %get3A = arith.constant 0 : index
    %get3A_0 = arith.constant 0 : index
    %get3A_1 = arith.constant 0 : index
    %get3A_2 = vector.load %arg3[%get3A, %get3A_0, %get3A_1] : memref<2x400x128xf32, #tpu.memory_space<vmem>>, vector<1x400x1xf32>
    %get3A_3 = vector.shape_cast %get3A_2 : vector<1x400x1xf32> to vector<400x1xf32>
    %get3A_4 = arith.constant 1 : index
    %get3A_5 = arith.constant 0 : index
    %get3A_6 = arith.constant 0 : index
    %get3A_7 = vector.load %arg3[%get3A_4, %get3A_5, %get3A_6] : memref<2x400x128xf32, #tpu.memory_space<vmem>>, vector<1x400x1xf32>
    %get3A_8 = vector.shape_cast %get3A_7 : vector<1x400x1xf32> to vector<400x1xf32>
    %add3A = arith.addf %get3A_3, %get3A_8 : vector<400x1xf32>
    %get3A_9 = arith.constant 0 : index
    %get3A_10 = arith.constant 0 : index
    %get3A_11 = arith.constant 0 : index
    %get3A_12 = vector.load %arg2[%get3A_9, %get3A_10, %get3A_11] : memref<2x400x128xf32, #tpu.memory_space<vmem>>, vector<1x400x128xf32>
    %get3A_13 = vector.shape_cast %get3A_12 : vector<1x400x128xf32> to vector<400x128xf32>
    %get3A_14 = arith.constant 1 : index
    %get3A_15 = arith.constant 0 : index
    %get3A_16 = arith.constant 0 : index
    %get3A_17 = vector.load %arg2[%get3A_14, %get3A_15, %get3A_16] : memref<2x400x128xf32, #tpu.memory_space<vmem>>, vector<1x400x128xf32>
    %get3A_18 = vector.shape_cast %get3A_17 : vector<1x400x128xf32> to vector<400x128xf32>
    %add3A_19 = arith.addf %get3A_13, %get3A_18 : vector<400x128xf32>
    %max3A = arith.constant 1.000000e+00 : f32
    %max3A_20 = vector.broadcast %max3A : f32 to vector<400x1xf32>
    %max3A_21 = arith.maximumf %add3A, %max3A_20 : vector<400x1xf32>
    %div3A = vector.broadcast %max3A_21 : vector<400x1xf32> to vector<400x128xf32>
    %div3A_22 = arith.divf %add3A_19, %div3A : vector<400x128xf32>
    %get3A_23 = arith.constant 0 : index
    %get3A_24 = arith.constant 0 : index
    %get3A_25 = vector.load %arg1[%get3A_23, %get3A_24] : memref<400x128xf32, #tpu.memory_space<vmem>>, vector<400x128xf32>
    %get3A_26 = arith.constant 0 : index
    %get3A_27 = arith.constant 0 : index
    %get3A_28 = vector.load %arg4[%get3A_26, %get3A_27] : memref<128x128xf32, #tpu.memory_space<vmem>>, vector<128x128xf32>
    %dot_general3A = arith.constant dense<0.000000e+00> : vector<400x128xf32>
    %dot_general3A_29 = tpu.matmul %get3A_25, %get3A_28, %dot_general3A {dimension_numbers = #tpu.dot_dimension_numbers<[1], [0], [0], [1], [0, 0, 1, 1], [], []>, transpose_lhs_hint = false} : vector<400x128xf32>, vector<128x128xf32>, vector<400x128xf32> -> vector<400x128xf32>
    %get3A_30 = arith.constant 0 : index
    %get3A_31 = arith.constant 0 : index
    %get3A_32 = vector.load %arg5[%get3A_30, %get3A_31] : memref<128x128xf32, #tpu.memory_space<vmem>>, vector<128x128xf32>
    %dot_general3A_33 = arith.constant dense<0.000000e+00> : vector<400x128xf32>
    %dot_general3A_34 = tpu.matmul %div3A_22, %get3A_32, %dot_general3A_33 {dimension_numbers = #tpu.dot_dimension_numbers<[1], [0], [0], [1], [0, 0, 1, 1], [], []>, transpose_lhs_hint = false} : vector<400x128xf32>, vector<128x128xf32>, vector<400x128xf32> -> vector<400x128xf32>
    %add3A_35 = arith.addf %dot_general3A_29, %dot_general3A_34 : vector<400x128xf32>
    %get3A_36 = arith.constant 0 : index
    %get3A_37 = arith.constant 0 : index
    %get3A_38 = vector.load %arg6[%get3A_36, %get3A_37] : memref<1x128xf32, #tpu.memory_space<vmem>>, vector<1x128xf32>
    %add3A_39 = vector.broadcast %get3A_38 : vector<1x128xf32> to vector<400x128xf32>
    %add3A_40 = arith.addf %add3A_35, %add3A_39 : vector<400x128xf32>
    %swap3A = arith.constant 0 : index
    %swap3A_41 = arith.constant 0 : index
    %swap3A_42 = vector.load %arg7[%swap3A, %swap3A_41] : memref<400x128xf32, #tpu.memory_space<vmem>>, vector<400x128xf32>
    tpu.vector_store %arg7[%swap3A, %swap3A_41], %add3A_40 {strides = array<i32>} : memref<400x128xf32, #tpu.memory_space<vmem>>, vector<400x128xf32>,
    return
  }
  func.func @transform_0(%arg0: i32) -> (i32, i32) {
    %c0_i32 = arith.constant 0 : i32
    %c0_i32_0 = arith.constant 0 : i32
    return %arg0, %c0_i32 : i32, i32
  }
  func.func @transform_1(%arg0: i32) -> (i32, i32, i32) {
    %c0_i32 = arith.constant 0 : i32
    %c0_i32_0 = arith.constant 0 : i32
    %c0_i32_1 = arith.constant 0 : i32
    return %c0_i32, %arg0, %c0_i32_0 : i32, i32, i32
  }
  func.func @transform_2(%arg0: i32) -> (i32, i32, i32) {
    %c0_i32 = arith.constant 0 : i32
    %c0_i32_0 = arith.constant 0 : i32
    %c0_i32_1 = arith.constant 0 : i32
    return %c0_i32, %arg0, %c0_i32_0 : i32, i32, i32
  }
  func.func @transform_3(%arg0: i32) -> (i32, i32) {
    %c0_i32 = arith.constant 0 : i32
    %c0_i32_0 = arith.constant 0 : i32
    %c0_i32_1 = arith.constant 0 : i32
    return %c0_i32, %c0_i32_0 : i32, i32
  }
  func.func @transform_4(%arg0: i32) -> (i32, i32) {
    %c0_i32 = arith.constant 0 : i32
    %c0_i32_0 = arith.constant 0 : i32
    %c0_i32_1 = arith.constant 0 : i32
    return %c0_i32, %c0_i32_0 : i32, i32
  }
  func.func @transform_5(%arg0: i32) -> (i32, i32) {
    %c0_i32 = arith.constant 0 : i32
    %c0_i32_0 = arith.constant 0 : i32
    %c0_i32_1 = arith.constant 0 : i32
    return %c0_i32, %c0_i32_0 : i32, i32
  }
  func.func @transform_6(%arg0: i32) -> (i32, i32) {
    %c0_i32 = arith.constant 0 : i32
    %c0_i32_0 = arith.constant 0 : i32
    return %arg0, %c0_i32 : i32, i32
  }
}

module attributes {stable_mosaic.version = 14 : i64} {
  func.func @body(%arg0: i32, %arg1: memref<400x128xf32, #tpu.memory_space<vmem>>, %arg2: memref<2x400x128xf32, #tpu.memory_space<vmem>>, %arg3: memref<2x400x128xf32, #tpu.memory_space<vmem>>, %arg4: memref<128x128xf32, #tpu.memory_space<vmem>>, %arg5: memref<128x128xf32, #tpu.memory_space<vmem>>, %arg6: memref<1x128xf32, #tpu.memory_space<vmem>>, %arg7: memref<400x128xf32, #tpu.memory_space<vmem>>) attributes {dimension_semantics = [#tpu.dimension_semantics<arbitrary>], iteration_bounds = array<i64: 25>, scalar_prefetch = 0 : i64, scratch_operands = 0 : i64, tpu.core_type = #tpu.core_type<tc>, window_params = [{transform_indices = @transform_0, window_bounds = array<i64: 400, 128>}, {transform_indices = @transform_1, window_bounds = array<i64: 2, 400, 128>}, {transform_indices = @transform_2, window_bounds = array<i64: 2, 400, 128>}, {pipeline_mode = #tpu.pipeline_mode<synchronous>, transform_indices = @transform_3, window_bounds = array<i64: 128, 128>}, {pipeline_mode = #tpu.pipeline_mode<synchronous>, transform_indices = @transform_4, window_bounds = array<i64: 128, 128>}, {pipeline_mode = #tpu.pipeline_mode<synchronous>, transform_indices = @transform_5, window_bounds = array<i64: 1, 128>}, {transform_indices = @transform_6, window_bounds = array<i64: 400, 128>}]} {
    %get3A = arith.constant 0 : index
    %get3A_0 = arith.constant 0 : index
    %get3A_1 = arith.constant 0 : index
    %get3A_2 = vector.load %arg3[%get3A, %get3A_0, %get3A_1] : memref<2x400x128xf32, #tpu.memory_space<vmem>>, vector<1x400x1xf32>
    %get3A_3 = vector.shape_cast %get3A_2 : vector<1x400x1xf32> to vector<400x1xf32>
    %get3A_4 = arith.constant 1 : index
    %get3A_5 = arith.constant 0 : index
    %get3A_6 = arith.constant 0 : index
    %get3A_7 = vector.load %arg3[%get3A_4, %get3A_5, %get3A_6] : memref<2x400x128xf32, #tpu.memory_space<vmem>>, vector<1x400x1xf32>
    %get3A_8 = vector.shape_cast %get3A_7 : vector<1x400x1xf32> to vector<400x1xf32>
    %add3A = arith.addf %get3A_3, %get3A_8 : vector<400x1xf32>
    %get3A_9 = arith.constant 0 : index
    %get3A_10 = arith.constant 0 : index
    %get3A_11 = arith.constant 0 : index
    %get3A_12 = vector.load %arg2[%get3A_9, %get3A_10, %get3A_11] : memref<2x400x128xf32, #tpu.memory_space<vmem>>, vector<1x400x128xf32>
    %get3A_13 = vector.shape_cast %get3A_12 : vector<1x400x128xf32> to vector<400x128xf32>
    %get3A_14 = arith.constant 1 : index
    %get3A_15 = arith.constant 0 : index
    %get3A_16 = arith.constant 0 : index
    %get3A_17 = vector.load %arg2[%get3A_14, %get3A_15, %get3A_16] : memref<2x400x128xf32, #tpu.memory_space<vmem>>, vector<1x400x128xf32>
    %get3A_18 = vector.shape_cast %get3A_17 : vector<1x400x128xf32> to vector<400x128xf32>
    %add3A_19 = arith.addf %get3A_13, %get3A_18 : vector<400x128xf32>
    %max3A = arith.constant 1.000000e+00 : f32
    %max3A_20 = vector.broadcast %max3A : f32 to vector<400x1xf32>
    %max3A_21 = arith.maximumf %add3A, %max3A_20 : vector<400x1xf32>
    %div3A = vector.broadcast %max3A_21 : vector<400x1xf32> to vector<400x128xf32>
    %div3A_22 = arith.divf %add3A_19, %div3A : vector<400x128xf32>
    %get3A_23 = arith.constant 0 : index
    %get3A_24 = arith.constant 0 : index
    %get3A_25 = vector.load %arg1[%get3A_23, %get3A_24] : memref<400x128xf32, #tpu.memory_space<vmem>>, vector<400x128xf32>
    %get3A_26 = arith.constant 0 : index
    %get3A_27 = arith.constant 0 : index
    %get3A_28 = vector.load %arg4[%get3A_26, %get3A_27] : memref<128x128xf32, #tpu.memory_space<vmem>>, vector<128x128xf32>
    %dot_general3A = arith.constant dense<0.000000e+00> : vector<400x128xf32>
    %dot_general3A_29 = tpu.matmul %get3A_25, %get3A_28, %dot_general3A {dimension_numbers = #tpu.dot_dimension_numbers<[1], [0], [0], [1], [0, 0, 1, 1], [], []>, transpose_lhs_hint = false} : vector<400x128xf32>, vector<128x128xf32>, vector<400x128xf32> -> vector<400x128xf32>
    %get3A_30 = arith.constant 0 : index
    %get3A_31 = arith.constant 0 : index
    %get3A_32 = vector.load %arg5[%get3A_30, %get3A_31] : memref<128x128xf32, #tpu.memory_space<vmem>>, vector<128x128xf32>
    %dot_general3A_33 = arith.constant dense<0.000000e+00> : vector<400x128xf32>
    %dot_general3A_34 = tpu.matmul %div3A_22, %get3A_32, %dot_general3A_33 {dimension_numbers = #tpu.dot_dimension_numbers<[1], [0], [0], [1], [0, 0, 1, 1], [], []>, transpose_lhs_hint = false} : vector<400x128xf32>, vector<128x128xf32>, vector<400x128xf32> -> vector<400x128xf32>
    %add3A_35 = arith.addf %dot_general3A_29, %dot_general3A_34 : vector<400x128xf32>
    %get3A_36 = arith.constant 0 : index
    %get3A_37 = arith.constant 0 : index
    %get3A_38 = vector.load %arg6[%get3A_36, %get3A_37] : memref<1x128xf32, #tpu.memory_space<vmem>>, vector<1x128xf32>
    %add3A_39 = vector.broadcast %get3A_38 : vector<1x128xf32> to vector<400x128xf32>
    %add3A_40 = arith.addf %add3A_35, %add3A_39 : vector<400x128xf32>
    %max3A_41 = arith.constant 0.000000e+00 : f32
    %max3A_42 = vector.broadcast %max3A_41 : f32 to vector<400x128xf32>
    %max3A_43 = arith.maximumf %add3A_40, %max3A_42 : vector<400x128xf32>
    %swap3A = arith.constant 0 : index
    %swap3A_44 = arith.constant 0 : index
    %swap3A_45 = vector.load %arg7[%swap3A, %swap3A_44] : memref<400x128xf32, #tpu.memory_space<vmem>>, vector<400x128xf32>
    tpu.vector_store %arg7[%swap3A, %swap3A_44], %max3A_43 {strides = array<i32>} : memref<400x128xf32, #tpu.memory_space<vmem>>, vector<400x128xf32>,
    return
  }
  func.func @transform_0(%arg0: i32) -> (i32, i32) {
    %c0_i32 = arith.constant 0 : i32
    %c0_i32_0 = arith.constant 0 : i32
    return %arg0, %c0_i32 : i32, i32
  }
  func.func @transform_1(%arg0: i32) -> (i32, i32, i32) {
    %c0_i32 = arith.constant 0 : i32
    %c0_i32_0 = arith.constant 0 : i32
    %c0_i32_1 = arith.constant 0 : i32
    return %c0_i32, %arg0, %c0_i32_0 : i32, i32, i32
  }
  func.func @transform_2(%arg0: i32) -> (i32, i32, i32) {
    %c0_i32 = arith.constant 0 : i32
    %c0_i32_0 = arith.constant 0 : i32
    %c0_i32_1 = arith.constant 0 : i32
    return %c0_i32, %arg0, %c0_i32_0 : i32, i32, i32
  }
  func.func @transform_3(%arg0: i32) -> (i32, i32) {
    %c0_i32 = arith.constant 0 : i32
    %c0_i32_0 = arith.constant 0 : i32
    %c0_i32_1 = arith.constant 0 : i32
    return %c0_i32, %c0_i32_0 : i32, i32
  }
  func.func @transform_4(%arg0: i32) -> (i32, i32) {
    %c0_i32 = arith.constant 0 : i32
    %c0_i32_0 = arith.constant 0 : i32
    %c0_i32_1 = arith.constant 0 : i32
    return %c0_i32, %c0_i32_0 : i32, i32
  }
  func.func @transform_5(%arg0: i32) -> (i32, i32) {
    %c0_i32 = arith.constant 0 : i32
    %c0_i32_0 = arith.constant 0 : i32
    %c0_i32_1 = arith.constant 0 : i32
    return %c0_i32, %c0_i32_0 : i32, i32
  }
  func.func @transform_6(%arg0: i32) -> (i32, i32) {
    %c0_i32 = arith.constant 0 : i32
    %c0_i32_0 = arith.constant 0 : i32
    return %arg0, %c0_i32 : i32, i32
  }
}

</mosaic_0001>

<sc_bundles>
// kernel: kernel.10.cloned.1.call-start
scs
__scs_entry_jumppad:
0x0: {  	(pc) =	sbr.rel $0x88, $3  }
0x1: {  	(tag) =	ssettag $0x0;
	lr =	simm.s32 $0x1  }
0x2: {  	[smem:$0x3F99] =	sst lr;
	_ =	strace $0xD0000000  }
0x3: {  	_ = 	snop  }
0x4: {  	_ = 	snop  }
0x5: {  	_ = 	snop  }
0x6: {  	_ = 	snop  }
0x7: {  	_ = 	snop  }
__scs_overlays_trampoline_lowered:
0x8: {  	[smem:$0x3FA8] =	sst s0  }
0x9: {  	[smem:$0x3FA9] =	sst s1  }
0xa: {  	[smem:$0x3FAA] =	sst s2  }
0xb: {  	[smem:$0x3FAB] =	sst s3  }
0xc: {  	[smem:$0x3FAC] =	sst s4  }
0xd: {  	[smem:$0x3FAD] =	sst s5  }
0xe: {  	[smem:$0x3FAE] =	sst s6  }
0xf: {  	[smem:$0x3FAF] =	sst s7  }
0x10: {  	[smem:$0x3FB0] =	sst s8  }
0x11: {  	[smem:$0x3FB1] =	sst s9;
	s0 =	simm.s32 @!p0 $0x0  }
0x12: {  	s1 =	sld [smem:$0x3F97];
	s0 =	simm.s32 @p0 $0x1  }
0x13: {  	[smem:$0x3FB2] =	sst s0;
	s0 =	simm.s32 @!p1 $0x0  }
0x14: {  	s2 =	sld [smem:$0x3F96];
	s0 =	simm.s32 @p1 $0x1  }
0x15: {  	[smem:$0x3FB3] =	sst s0;
	s0 =	simm.s32 @!p2 $0x0  }
0x16: {  	s3 =	sld [smem:$0x3FDB];
	s0 =	simm.s32 @p2 $0x1  }
0x17: {  	s4 =	simm.s32 $0x1BF5;
	[smem:$0x3FB5] =	sst s0  }
0x18: {  	s0 =	sld [smem:$0x3F98];
	_ =	swait.ge [sflag:s4], $0x0  }
0x19: {  	s7 =	sld [smem:$0x3F99]  }
0x1a: {  	s8 =	sadd.s32 $0xFFFFE003, lr  }
0x1b: {  	s9 =	sadd.s32 $0xFFFFFEF7, lr;
	s5 =	simm.s32 $0xFFFFFFFF;
	p2 =	slt.u32 s8, $0xFFFFF086  }
0x1c: {  	p1 =	slt.u32 s9, $0xF7A;
	s5 =	simm.s32 @!p2 $0x0  }
0x1d: {  	s5 =	simm.s32 @p1 $0x1;
	p0 =	seq.s32 s7, s2  }
0x1e: {  	s7 =	smul.u32 @!p0 $0xF7A, s2;
	p2 =	seq.s32 @!p0 s5, $0x0  }
0x1f: {  	s9 =	smul.u32 $0xF7A, s1;
	s8 =	simm.s32 @!p0 $0x1BF5;
	p2 =	por !p2, p0  }
0x20: {  	[sflag:s8] =	ssyncset.s32 @!p0 $0xFFFFF086;
	s6 =	sadd.s32 @!p0 s3, s7;
	s7 =	simm.s32 @!p0 $0x108  }
0x21: {  	s3 =	sadd.s32 s3, s9;
	s6 =	sadd.s32 @!p0 $0x88, s6;
	s7 =	simm.s32 @p2 $0x1082  }
0x22: {  	[simem:s7], [sflag:s8] =	dma.local @!p0 [hbm:s6], $0xF7A  }
0x23: {  	s9 =	sor.u32 $0xD0000000, s2;
	s6 =	simm.s32 $0x108;
	_ =	swait.ge @!p0 [sflag:s8], $0x0  }
0x24: {  	s3 =	sadd.s32 $0x88, s3;
	s6 =	simm.s32 @!p1 $0x1082;
	[sflag:s4] =	ssyncset.s32 $0xFFFFF086  }
0x25: {  	[simem:s6], [sflag:s4] =	dma.local [hbm:s3], $0xF7A  }
0x26: {  	[smem:$0x3F99] =	sst s1;
	(tag) =	ssettag s2;
	_ =	strace s9  }
0x27: {  	s1 =	sld [smem:$0x3FA9]  }
0x28: {  	s2 =	sld [smem:$0x3FAA]  }
0x29: {  	s4 =	sld [smem:$0x3FAC]  }
0x2a: {  	p0 =	seq.s32 s5, $0x0;
	s5 =	sld [smem:$0x3FAD]  }
0x2b: {  	s6 =	sld [smem:$0x3FAE]  }
0x2c: {  	s7 =	sld [smem:$0x3FAF]  }
0x2d: {  	s3 =	simm.s32 $0x108;
	s8 =	sld [smem:$0x3FB0]  }
0x2e: {  	s3 =	simm.s32 @!p0 $0x1082;
	s9 =	sld [smem:$0x3FB1]  }
0x2f: {  	lr =	sadd.s32 s0, s3;
	s0 =	sld [smem:$0x3FA8]  }
0x30: {  	s3 =	sld [smem:$0x3FAB]  }
0x31: {  	[smem:$0x3FB4] =	sst s10  }
0x32: {  	s10 =	sld [smem:$0x3FB2];
	_ =	sdelay $0x3  }
0x33: {  	p0 =	seq.s32 s10, $0x1;
	s10 =	sld [smem:$0x3FB4];
	_ =	sdelay $0x3  }
0x34: {  	[smem:$0x3FB4] =	sst s10  }
0x35: {  	s10 =	sld [smem:$0x3FB3];
	_ =	sdelay $0x3  }
0x36: {  	p1 =	seq.s32 s10, $0x1;
	s10 =	sld [smem:$0x3FB4];
	_ =	sdelay $0x3  }
0x37: {  	[smem:$0x3FB4] =	sst s10  }
0x38: {  	s10 =	sld [smem:$0x3FB5]  }
0x39: {  	_ = 	snop;
	(pc) =	sbr.ind lr, $3  }
0x3a: {  	_ = 	snop  }
0x3b: {  	_ = 	snop  }
0x3c: {  	p2 =	seq.s32 s10, $0x1;
	s10 =	sld [smem:$0x3FB4]  }
0x3d: {  	_ =	shalt  }
0x3e: {  	_ =	shalt  }
0x3f: {  	_ =	shalt  }
0x40: {  	_ =	shalt  }
0x41: {  	_ =	shalt  }
0x42: {  	_ =	shalt  }
0x43: {  	_ =	shalt  }
0x44: {  	_ =	shalt  }
0x45: {  	_ =	shalt  }
0x46: {  	_ =	shalt  }
0x47: {  	_ =	shalt  }
0x48: {  	_ =	shalt  }
0x49: {  	_ =	shalt  }
0x4a: {  	_ =	shalt  }
0x4b: {  	_ =	shalt  }
0x4c: {  	_ =	shalt  }
0x4d: {  	_ =	shalt  }
0x4e: {  	_ =	shalt  }
0x4f: {  	_ =	shalt  }
0x50: {  	_ =	shalt  }
0x51: {  	_ =	shalt  }
0x52: {  	_ =	shalt  }
0x53: {  	_ =	shalt  }
0x54: {  	_ =	shalt  }
0x55: {  	_ =	shalt  }
0x56: {  	_ =	shalt  }
0x57: {  	_ =	shalt  }
0x58: {  	_ =	shalt  }
0x59: {  	_ =	shalt  }
0x5a: {  	_ =	shalt  }
0x5b: {  	_ =	shalt  }
0x5c: {  	_ =	shalt  }
0x5d: {  	_ =	shalt  }
0x5e: {  	_ =	shalt  }
0x5f: {  	_ =	shalt  }
0x60: {  	_ =	shalt  }
0x61: {  	_ =	shalt  }
0x62: {  	_ =	shalt  }
0x63: {  	_ =	shalt  }
0x64: {  	_ =	shalt  }
0x65: {  	_ =	shalt  }
0x66: {  	_ =	shalt  }
0x67: {  	_ =	shalt  }
0x68: {  	_ =	shalt  }
0x69: {  	_ =	shalt  }
0x6a: {  	_ =	shalt  }
0x6b: {  	_ =	shalt  }
0x6c: {  	_ =	shalt  }
0x6d: {  	_ =	shalt  }
0x6e: {  	_ =	shalt  }
0x6f: {  	_ =	shalt  }
0x70: {  	_ =	shalt  }
0x71: {  	_ =	shalt  }
0x72: {  	_ =	shalt  }
0x73: {  	_ =	shalt  }
0x74: {  	_ =	shalt  }
0x75: {  	_ =	shalt  }
0x76: {  	_ =	shalt  }
0x77: {  	_ =	shalt  }
0x78: {  	_ =	shalt  }
0x79: {  	_ =	shalt  }
0x7a: {  	_ =	shalt  }
0x7b: {  	_ =	shalt  }
0x7c: {  	_ =	shalt  }
0x7d: {  	_ =	shalt  }
0x7e: {  	_ =	shalt  }
0x7f: {  	_ =	shalt  }
0x80: {  	_ =	shalt  }
0x81: {  	_ =	shalt  }
0x82: {  	_ =	shalt  }
0x83: {  	_ =	shalt  }
0x84: {  	_ =	shalt  }
0x85: {  	_ =	shalt  }
0x86: {  	_ =	shalt  }
0x87: {  	_ =	shalt  }
.Lfunc_end0:
.L_simem_size_0:
called_computation.1_lowered:
.L_overlay_start_0:
0x88: {  	s2 =	sld [smem:$0x3FD9]  }
0x89: {  	s3 =	sld [smem:$0x3FFE];
	_ =	sdelay $0x1  }
0x8a: {  	s1 =	srdreg.scid  }
0x8b: {  	s0 =	sand.u32 $0x1, s1  }
0x8c: {  	s17 =	sshll.u32 s0, $0xA;
	s2 =	sadd.s32 s3, s2  }
0x8d: {  	s2 =	sadd.s32 s2, s17  }
0x8e: {  	[smem:$0x3FC0] =	sst s2  }
0x8f: {  	_ = 	snop  }
0x90: {  	s2 =	sld [smem:$0x3FC9];
	(tm) =	ssettm $0x1  }
0x91: {  	s18 =	sld [smem:$0x3FFB];
	_ =	sdelay $0x3  }
0x92: {  	_ =	strace s18  }
0x93: {  	s3 =	sld [smem:$0x3FFC];
	_ =	sdelay $0x3  }
0x94: {  	_ =	strace s3  }
0x95: {  	s3 =	sld [smem:$0x3FFD];
	_ =	sdelay $0x3  }
0x96: {  	_ =	strace s3  }
0x97: {  	_ =	strace $0x8FFFFFFF  }
0x98: {  	s19 =	sld [smem:$0x3FDB];
	_ =	sdelay $0x1  }
0x99: {  	s4 =	simm.s32 $_scs_section_size  }
0x9a: {  	s5 =	simm.s32 $_size__tile_overlayer_lowered;
	s6 =	simm.s32 $_tile_overlayer_lowered  }
0x9b: {  	s22 =	simm.s32 $0x1BFF;
	s21 =	sshll.u32 s6, $0x1;
	s3 =	sadd.s32 s4, s19  }
0x9c: {  	s7 =	simm.s32 $0x0;
	s20 =	sshll.u32 s5, $0x1;
	s5 =	sadd.s32 s21, s3  }
0x9d: {  	[timem:s7], [sflag:s22] =	dma.local [hbm:s5], s20  }
0x9e: {  	_ =	swait.ge [sflag:s22], s20  }
0x9f: {  	s4 =	ssub.s32 $0x0, s20;
	[sflag:s22] =	ssyncset.done $0x0  }
0xa0: {  	[sflag:s22] =	ssyncadd.s32 s4;
	_ =	sdelay $0x1  }
0xa1: {  	s23 =	simm.s32 $0x1B8B  }
0xa2: {  	_ =	swait.ge [sflag:s23], $0x1  }
0xa3: {  	[sflag:s23] =	ssyncset.done $0x0  }
0xa4: {  	s25 =	simm.s32 $0x1B8E;
	s24 =	sld [smem:$0x3FFE];
	[sflag:s23] =	ssyncadd.s32 $0xFFFFFFFF  }
0xa5: {  	s26 =	simm.s32 $execute0_lowered;
	[smem:$0x3FD2] =	sst s25  }
0xa6: {  	s5 =	sshll.u32 s26, $0x1;
	_ =	strace $0x80000046;
	[dreg:$0x1] =	wrdreg $0xFFFFFFFF  }
0xa7: {  	s28 =	simm.s32 $_size_execute0_lowered;
	s3 =	sadd.s32 s3, s5;
	[dreg:$0x0] =	wrdreg $0x0  }
0xa8: {  	s5 =	sshll.u32 s28, $0x1;
	[dreg:$0x2] =	wrdreg s3  }
0xa9: {  	[dreg:$0x3] =	wrdreg s5  }
0xaa: {  	[dreg:$0x4] =	wrdreg $0xC0  }
0xab: {  	_ =	task [dreg:s7], $0x5FFFF  }
0xac: {  	[dreg:$0x1] =	wrdreg $0xFFFFFFFF  }
0xad: {  	[dreg:$0x0] =	wrdreg $0x60  }
0xae: {  	[dreg:$0x2] =	wrdreg s2  }
0xaf: {  	[dreg:$0x3] =	wrdreg s24  }
0xb0: {  	[dreg:$0x4] =	wrdreg $0x0  }
0xb1: {  	[dreg:$0x5] =	wrdreg $0xA  }
0xb2: {  	_ =	task.clear_ibuf [dreg:s7], $0x6FFFF;
	_ =	strace $0x90000046  }
0xb3: {  	s29 =	simm.s32 $0xA;
	_ =	strace $0x80000048  }
0xb4: {  	_ =	swait.ge [sflag:s29], $0x1  }
0xb5: {  	[sflag:s29] =	ssyncadd.s32 $0xFFFFFFFF  }
0xb6: {  	_ =	strace $0x90000048  }
0xb7: {  	_ =	sfence  }
0xb8: {  	s30 =	sld [smem:$0x0];
	_ =	sdelay $0x2  }
0xb9: {  	s31 =	sshll.u32 s1, $0xD;
	s1 =	sshrl.u32 s1, $0x2  }
0xba: {  	s3 =	sand.u32 $0x4000, s31;
	s1 =	sadd.s32 s1, s30  }
0xbb: {  	s0 =	sor.u32 s3, s0;
	s1 =	sshll.u32 s1, $0x11  }
0xbc: {  	s0 =	sor.u32 s1, s0  }
0xbd: {  	s0 =	sadd.s32 $0x8F2B, s0  }
0xbe: {  	[sflag:s0] =	ssyncadd.remote.s32 $0x1  }
0xbf: {  	_ =	sfence.sel $0xFFFF  }
0xc0: {  	[dreg:$0x0] =	wrdreg $0xFFFFFFFF;
	(pc) =	sbr.abs _section_cstart, $3  }
0xc1: {  	[dreg:$0x1] =	wrdreg $0xFFFFFFFF  }
0xc2: {  	_ =	task.clear_ibuf [dreg:s7], $0x2FFFF;
	_ =	strace $0x9FFFFFFF  }
0xc3: {  	(tm) =	ssettm $0x7FFFFFFF  }
tec
execute0_lowered:
.L_overlay_start_1:
0x0: {  	(tag) =	ssettag $0x1  }
0x1: {  	s1 =	rddreg [dreg:$0x0]  }
0x2: {  	s0 =	rddreg [dreg:$0x1]  }
0x3: {  	s3 =	rddreg [dreg:$0x2]  }
0x4: {  	s5 =	srdreg.scid;
	s2 =	stileid.u32  }
0x5: {  	s4 =	simm.s32 $0x0;
	s18 =	simm.s32 $0x14200;
	s19 =	simm.s32 $0x3  }
0x6: {  	s20 =	simm.s32 $0x14000;
	s21 =	simm.s32 $0x14080;
	s22 =	simm.s32 $0x80  }
0x7: {  	s28 =	simm.s32 $0x2;
	s29 =	simm.s32 $0x0;
	s23 =	smul.u32 $0x2800, s2  }
0x8: {  	s6 =	sand.u32 $0x1, s5;
	[smem:$0x7FF] =	sst s4;
	s24 =	smul.u32 $0x50000, s2  }
0x9: {  	s17 =	sadd.s32 $0xBE00, s0;
	s16 =	sadd.s32 $0x2000, s0;
	s12 =	smul.u32 $0x2780, s2  }
0xa: {  	s7 =	smul.u32 $0x28000, s6;
	_ =	strace $0x80000047;
	s8 =	sshll.u32 s6, $0x4  }
0xb: {  	s25 =	ssub.s32 $0x2, s6;
	s11 =	smul.u32 $0x27800, s6;
	s8 =	sor.u32 s2, s8  }
0xc: {  	s9 =	sshrl.u32 s25, $0x1;
	s5 =	sadd.s32 s23, s7;
	s7 =	sshrl.u32 s24, $0x2  }
0xd: {  	s8 =	smul.u32 $0x2780, s8;
	s13 =	ssub.s32 s25, s9;
	s15 =	sadd.s32 s12, s11  }
0xe: {  	s23 =	simm.s32 $0x14100;
	s24 =	simm.s32 $0x14180;
	s25 =	simm.s32 $0x18200  }
0xf: {  	s0 =	sadd.s32 s5, s0;
	s5 =	sadd.s32 s7, s3;
	s31 =	sadd.s32 $0x80, s15  }
0x10: {  	s13 =	smax.u32 s13, $0x1;
	s15 =	sshrl.u32 s15, $0x3;
	s26 =	sadd.s32 $0x4000, s5  }
0x11: {  	s30 =	sshrl.u32 s8, $0x3;
	s7 =	sadd.s32 $0x8000, s5;
	s8 =	sadd.s32 $0xC000, s5  }
0x12: {  	s9 =	sadd.s32 $0x10000, s5;
	s12 =	sadd.s32 $0x15C00, s0;
	s0 =	sshrl.u32 s31, $0x3  }
0x13: {  	[dreg:$0x4] =	wrdreg s26;
	s14 =	sadd.s32 $0x4E0, s30;
	s26 =	simm.s32 $0x1  }
0x14: {  	s10 =	sadd.s32 s17, s14;
	s11 =	sadd.s32 s16, s14;
	s14 =	sadd.s32 s15, s16  }
0x15: {  	v0 =	vimm.f32 $0.0e+00;
	s15 =	sadd.s32 s15, s17;
	s16 =	sadd.s32 s0, s16;
	s17 =	sadd.s32 s0, s17  }
.LBB2_1:
0x16: {  	s30 =	simm.s32 $0x0;
	s31 =	simm.s32 $0x200  }
.LBB2_2:
0x17: {  	p0 =	sne.s32 s31, $0xFE00;
	[tilespmem:s30+$0x14270] =	vst v0  }
0x18: {  	[tilespmem:s30+$0x14200] =	vst v0  }
0x19: {  	[tilespmem:s30+$0x14210] =	vst v0  }
.Ltmp0:
0x1a: {  	[tilespmem:s30+$0x14220] =	vst v0;
	(pc) =	sbr.rel @p0 .LBB2_2-.Ltmp0, $4  }
0x1b: {  	[tilespmem:s30+$0x14230] =	vst v0  }
0x1c: {  	[tilespmem:s30+$0x14240] =	vst v0  }
0x1d: {  	[tilespmem:s30+$0x14250] =	vst v0  }
0x1e: {  	[tilespmem:s30+$0x14260] =	vst v0;
	s30 =	sshra.s32 s31, $0x2;
	s31 =	sadd.s32 $0x200, s31  }
0x1f: {  	[tilespmem:s30+$0x14270] =	vst v0  }
0x20: {  	[tilespmem:s30+$0x14200] =	vst v0  }
0x21: {  	[tilespmem:s30+$0x14210] =	vst v0  }
0x22: {  	[tilespmem:s30+$0x14220] =	vst v0  }
0x23: {  	[tilespmem:s30+$0x14230] =	vst v0  }
0x24: {  	[tilespmem:s30+$0x14240] =	vst v0  }
0x25: {  	[tilespmem:s30+$0x14250] =	vst v0  }
0x26: {  	[tilespmem:s30+$0x14260] =	vst v0  }
0x27: {  	[spmem:s5] =	stream.linear.scatter [tilespmem:s18], [sflag:$0x3], $0x4000, $0x38;
	[tilespmem:$0x1C200] =	vst v63  }
0x28: {  	_ =	swait.ge [sflag:s19], $0x4000  }
0x29: {  	[sflag:s19] =	ssyncset.done $0x0  }
0x2a: {  	s0 =	rddreg [dreg:$0x4];
	[sflag:s19] =	ssyncadd.s32 $0xFFFFC000  }
0x2b: {  	[spmem:s0] =	stream.linear.scatter [tilespmem:s18], [sflag:$0x3], $0x4000, $0x38;
	[tilespmem:$0x1C200] =	vst v63  }
0x2c: {  	_ =	swait.ge [sflag:s19], $0x4000  }
0x2d: {  	[sflag:s19] =	ssyncset.done $0x0  }
0x2e: {  	[sflag:s19] =	ssyncadd.s32 $0xFFFFC000  }
0x2f: {  	[spmem:s7] =	stream.linear.scatter [tilespmem:s18], [sflag:$0x3], $0x4000, $0x38;
	[tilespmem:$0x1C200] =	vst v63  }
0x30: {  	_ =	swait.ge [sflag:s19], $0x4000  }
0x31: {  	[sflag:s19] =	ssyncset.done $0x0  }
0x32: {  	[sflag:s19] =	ssyncadd.s32 $0xFFFFC000  }
0x33: {  	[spmem:s8] =	stream.linear.scatter [tilespmem:s18], [sflag:$0x3], $0x4000, $0x38;
	[tilespmem:$0x1C200] =	vst v63  }
0x34: {  	_ =	swait.ge [sflag:s19], $0x4000  }
0x35: {  	[sflag:s19] =	ssyncset.done $0x0  }
0x36: {  	[sflag:s19] =	ssyncadd.s32 $0xFFFFC000  }
0x37: {  	[spmem:s9] =	stream.linear.scatter [tilespmem:s18], [sflag:$0x3], $0x4000, $0x38;
	[tilespmem:$0x1C200] =	vst v63  }
0x38: {  	_ =	swait.ge [sflag:s19], $0x4000  }
0x39: {  	[sflag:s19] =	ssyncset.done $0x0  }
0x3a: {  	[sflag:s19] =	ssyncadd.s32 $0xFFFFC000  }
0x3b: {  	s2 =	sadd.s32 $0x0, s15;
	[bflag:$0x0] =	sbarrier.arrive $0xFFFF  }
0x3c: {  	[tilespmem:s20], [sflag:$0x3] =	stream.linear.gather [hbm4b:s2+s4], $0x80, $0x38;
	[tilespmem:$0x1C200] =	vst v63  }
0x3d: {  	_ =	swait.ge [sflag:s19], $0x80  }
0x3e: {  	[sflag:s19] =	ssyncset.done $0x0  }
0x3f: {  	s6 =	sadd.s32 $0x0, s14;
	[sflag:s19] =	ssyncadd.s32 $0xFFFFFF80  }
0x40: {  	[tilespmem:s21], [sflag:$0x3] =	stream.linear.gather [hbm4b:s6+s4], $0x80, $0x38;
	[tilespmem:$0x1C200] =	vst v63  }
0x41: {  	_ =	swait.ge [sflag:s19], $0x80  }
0x42: {  	[sflag:s19] =	ssyncset.done $0x0  }
0x43: {  	[sflag:s19] =	ssyncadd.s32 $0xFFFFFF80  }
0x44: {  	[tilespmem:s18], [sflag:$0x1] =	stream.indirect.gather [hbm4b:s1+s22], $0x80, s20, s22, $0xb8;
	[tilespmem:$0x1C200] =	vst v63  }
0x45: {  	s2 =	sadd.s32 $0x0, s17  }
0x46: {  	[tilespmem:s23], [sflag:$0x3] =	stream.linear.gather [hbm4b:s2+s4], $0x80, $0x38;
	[tilespmem:$0x1C200] =	vst v63  }
0x47: {  	_ =	swait.ge [sflag:s19], $0x80  }
0x48: {  	[sflag:s19] =	ssyncset.done $0x0  }
0x49: {  	s6 =	sadd.s32 $0x0, s16;
	[sflag:s19] =	ssyncadd.s32 $0xFFFFFF80  }
0x4a: {  	[tilespmem:s24], [sflag:$0x3] =	stream.linear.gather [hbm4b:s6+s4], $0x80, $0x38;
	[tilespmem:$0x1C200] =	vst v63  }
0x4b: {  	_ =	swait.ge [sflag:s19], $0x80  }
0x4c: {  	[sflag:s19] =	ssyncset.done $0x0  }
0x4d: {  	[sflag:s19] =	ssyncadd.s32 $0xFFFFFF80  }
0x4e: {  	[tilespmem:s25], [sflag:$0x2] =	stream.indirect.gather [hbm4b:s1+s22], $0x80, s23, s22, $0xb8;
	[tilespmem:$0x1C200] =	vst v63  }
0x4f: {  	_ =	swait.ge [sflag:s26], $0x4000  }
0x50: {  	[sflag:s26] =	ssyncset.done $0x0  }
0x51: {  	[sflag:s26] =	ssyncadd.s32 $0xFFFFC000  }
0x52: {  	[spmem:s3] =	stream.indirect.scatter.add.f32 [tilespmem:s18], [sflag:$0x3], $0x80, s21, s22, $0xb8;
	[tilespmem:$0x1C200] =	vst v63  }
0x53: {  	_ =	swait.ge [sflag:s19], $0x4000  }
0x54: {  	[sflag:s19] =	ssyncset.done $0x0  }
0x55: {  	[sflag:s19] =	ssyncadd.s32 $0xFFFFC000  }
0x56: {  	_ =	swait.ge [sflag:s28], $0x4000  }
0x57: {  	[sflag:s28] =	ssyncset.done $0x0  }
0x58: {  	[sflag:s28] =	ssyncadd.s32 $0xFFFFC000  }
0x59: {  	[spmem:s3] =	stream.indirect.scatter.add.f32 [tilespmem:s25], [sflag:$0x3], $0x80, s24, s22, $0xb8;
	[tilespmem:$0x1C200] =	vst v63  }
0x5a: {  	_ =	swait.ge [sflag:s19], $0x4000  }
0x5b: {  	s30 =	simm.s32 $0x20;
	s31 =	simm.s32 $0x40;
	[sflag:s19] =	ssyncset.done $0x0  }
.LBB2_4:
0x5c: {  	s2 =	sadd.s32 s30, s15  }
0x5d: {  	[sflag:s19] =	ssyncadd.s32 $0xFFFFC000;
	s6 =	smov.u32 s31;
	s0 =	sadd.s32 $0x20, s31  }
0x5e: {  	[tilespmem:s20], [sflag:$0x3] =	stream.linear.gather [hbm4b:s2+s4], $0x80, $0x38;
	[tilespmem:$0x1C200] =	vst v63  }
0x5f: {  	p0 =	sne.s32 s31, $0x4C0;
	_ =	swait.ge [sflag:s19], $0x80  }
0x60: {  	[sflag:s19] =	ssyncset.done $0x0  }
0x61: {  	s2 =	sadd.s32 s30, s14;
	[sflag:s19] =	ssyncadd.s32 $0xFFFFFF80  }
0x62: {  	[tilespmem:s21], [sflag:$0x3] =	stream.linear.gather [hbm4b:s2+s4], $0x80, $0x38;
	[tilespmem:$0x1C200] =	vst v63  }
0x63: {  	_ =	swait.ge [sflag:s19], $0x80  }
0x64: {  	[sflag:s19] =	ssyncset.done $0x0  }
0x65: {  	[sflag:s19] =	ssyncadd.s32 $0xFFFFFF80  }
0x66: {  	[tilespmem:s18], [sflag:$0x1] =	stream.indirect.gather [hbm4b:s1+s22], $0x80, s20, s22, $0xb8;
	[tilespmem:$0x1C200] =	vst v63  }
0x67: {  	s2 =	sadd.s32 s30, s17  }
0x68: {  	[tilespmem:s23], [sflag:$0x3] =	stream.linear.gather [hbm4b:s2+s4], $0x80, $0x38;
	[tilespmem:$0x1C200] =	vst v63  }
0x69: {  	_ =	swait.ge [sflag:s19], $0x80  }
0x6a: {  	[sflag:s19] =	ssyncset.done $0x0  }
0x6b: {  	s2 =	sadd.s32 s30, s16;
	s30 =	smov.u32 s6;
	[sflag:s19] =	ssyncadd.s32 $0xFFFFFF80  }
0x6c: {  	[tilespmem:s24], [sflag:$0x3] =	stream.linear.gather [hbm4b:s2+s4], $0x80, $0x38;
	[tilespmem:$0x1C200] =	vst v63  }
0x6d: {  	_ =	swait.ge [sflag:s19], $0x80  }
0x6e: {  	[sflag:s19] =	ssyncset.done $0x0  }
0x6f: {  	[sflag:s19] =	ssyncadd.s32 $0xFFFFFF80  }
0x70: {  	[tilespmem:s25], [sflag:$0x2] =	stream.indirect.gather [hbm4b:s1+s22], $0x80, s23, s22, $0xb8;
	[tilespmem:$0x1C200] =	vst v63  }
0x71: {  	_ =	swait.ge [sflag:s26], $0x4000  }
0x72: {  	[sflag:s26] =	ssyncset.done $0x0  }
0x73: {  	[sflag:s26] =	ssyncadd.s32 $0xFFFFC000  }
0x74: {  	[spmem:s3] =	stream.indirect.scatter.add.f32 [tilespmem:s18], [sflag:$0x3], $0x80, s21, s22, $0xb8;
	[tilespmem:$0x1C200] =	vst v63  }
0x75: {  	_ =	swait.ge [sflag:s19], $0x4000  }
0x76: {  	[sflag:s19] =	ssyncset.done $0x0  }
0x77: {  	[sflag:s19] =	ssyncadd.s32 $0xFFFFC000  }
0x78: {  	_ =	swait.ge [sflag:s28], $0x4000  }
.Ltmp1:
0x79: {  	[sflag:s28] =	ssyncset.done $0x0;
	(pc) =	sbr.rel @p0 .LBB2_4-.Ltmp1, $4  }
0x7a: {  	[sflag:s28] =	ssyncadd.s32 $0xFFFFC000  }
0x7b: {  	[spmem:s3] =	stream.indirect.scatter.add.f32 [tilespmem:s25], [sflag:$0x3], $0x80, s24, s22, $0xb8;
	[tilespmem:$0x1C200] =	vst v63  }
0x7c: {  	_ =	swait.ge [sflag:s19], $0x4000  }
0x7d: {  	s31 =	smov.u32 s0;
	[sflag:s19] =	ssyncset.done $0x0  }
0x7e: {  	s0 =	sadd.s32 s30, s15;
	[sflag:s19] =	ssyncadd.s32 $0xFFFFC000  }
0x7f: {  	[tilespmem:s20], [sflag:$0x3] =	stream.linear.gather [hbm4b:s0+s4], $0x80, $0x38;
	[tilespmem:$0x1C200] =	vst v63  }
0x80: {  	_ =	swait.ge [sflag:s19], $0x80  }
0x81: {  	[sflag:s19] =	ssyncset.done $0x0  }
0x82: {  	s2 =	sadd.s32 s30, s14;
	[sflag:s19] =	ssyncadd.s32 $0xFFFFFF80  }
0x83: {  	[tilespmem:s21], [sflag:$0x3] =	stream.linear.gather [hbm4b:s2+s4], $0x80, $0x38;
	[tilespmem:$0x1C200] =	vst v63  }
0x84: {  	_ =	swait.ge [sflag:s19], $0x80  }
0x85: {  	[sflag:s19] =	ssyncset.done $0x0  }
0x86: {  	[sflag:s19] =	ssyncadd.s32 $0xFFFFFF80  }
0x87: {  	[tilespmem:s18], [sflag:$0x1] =	stream.indirect.gather [hbm4b:s1+s22], $0x80, s20, s22, $0xb8;
	[tilespmem:$0x1C200] =	vst v63  }
0x88: {  	s6 =	sadd.s32 s30, s17  }
0x89: {  	[tilespmem:s23], [sflag:$0x3] =	stream.linear.gather [hbm4b:s6+s4], $0x80, $0x38;
	[tilespmem:$0x1C200] =	vst v63  }
0x8a: {  	_ =	swait.ge [sflag:s19], $0x80  }
0x8b: {  	[sflag:s19] =	ssyncset.done $0x0  }
0x8c: {  	s30 =	sadd.s32 s30, s16;
	[sflag:s19] =	ssyncadd.s32 $0xFFFFFF80  }
0x8d: {  	[tilespmem:s24], [sflag:$0x3] =	stream.linear.gather [hbm4b:s30+s4], $0x80, $0x38;
	[tilespmem:$0x1C200] =	vst v63  }
0x8e: {  	_ =	swait.ge [sflag:s19], $0x80  }
0x8f: {  	[sflag:s19] =	ssyncset.done $0x0  }
0x90: {  	[sflag:s19] =	ssyncadd.s32 $0xFFFFFF80  }
0x91: {  	[tilespmem:s25], [sflag:$0x2] =	stream.indirect.gather [hbm4b:s1+s22], $0x80, s23, s22, $0xb8;
	[tilespmem:$0x1C200] =	vst v63  }
0x92: {  	_ =	swait.ge [sflag:s26], $0x4000  }
0x93: {  	[sflag:s26] =	ssyncset.done $0x0  }
0x94: {  	[sflag:s26] =	ssyncadd.s32 $0xFFFFC000  }
0x95: {  	[spmem:s3] =	stream.indirect.scatter.add.f32 [tilespmem:s18], [sflag:$0x3], $0x80, s21, s22, $0xb8;
	[tilespmem:$0x1C200] =	vst v63  }
0x96: {  	_ =	swait.ge [sflag:s19], $0x4000  }
0x97: {  	[sflag:s19] =	ssyncset.done $0x0  }
0x98: {  	[sflag:s19] =	ssyncadd.s32 $0xFFFFC000  }
0x99: {  	_ =	swait.ge [sflag:s28], $0x4000  }
0x9a: {  	[sflag:s28] =	ssyncset.done $0x0  }
0x9b: {  	[sflag:s28] =	ssyncadd.s32 $0xFFFFC000  }
0x9c: {  	[spmem:s3] =	stream.indirect.scatter.add.f32 [tilespmem:s25], [sflag:$0x3], $0x80, s24, s22, $0xb8;
	[tilespmem:$0x1C200] =	vst v63  }
0x9d: {  	_ =	swait.ge [sflag:s19], $0x4000  }
0x9e: {  	[sflag:s19] =	ssyncset.done $0x0  }
0x9f: {  	[sflag:s19] =	ssyncadd.s32 $0xFFFFC000  }
0xa0: {  	[tilespmem:s20], [sflag:$0x3] =	stream.linear.gather [hbm4b:s10+s4], $0x80, $0x38;
	[tilespmem:$0x1C200] =	vst v63  }
0xa1: {  	_ =	swait.ge [sflag:s19], $0x80  }
0xa2: {  	[sflag:s19] =	ssyncset.done $0x0  }
0xa3: {  	[sflag:s19] =	ssyncadd.s32 $0xFFFFFF80  }
0xa4: {  	[tilespmem:s21], [sflag:$0x3] =	stream.linear.gather [hbm4b:s11+s4], $0x80, $0x38;
	[tilespmem:$0x1C200] =	vst v63  }
0xa5: {  	_ =	swait.ge [sflag:s19], $0x80  }
0xa6: {  	[sflag:s19] =	ssyncset.done $0x0  }
0xa7: {  	[sflag:s19] =	ssyncadd.s32 $0xFFFFFF80  }
0xa8: {  	[tilespmem:s18], [sflag:$0x1] =	stream.indirect.gather [hbm4b:s1+s22], $0x80, s20, s22, $0xb8;
	[tilespmem:$0x1C200] =	vst v63  }
0xa9: {  	_ =	swait.ge [sflag:s26], $0x4000  }
0xaa: {  	[sflag:s26] =	ssyncset.done $0x0  }
0xab: {  	[sflag:s26] =	ssyncadd.s32 $0xFFFFC000  }
0xac: {  	[spmem:s3] =	stream.indirect.scatter.add.f32 [tilespmem:s18], [sflag:$0x3], $0x80, s21, s22, $0xb8;
	[tilespmem:$0x1C200] =	vst v63  }
0xad: {  	s31 =	stileid.u32;
	_ =	swait.ge [sflag:s19], $0x4000  }
0xae: {  	s29 =	sadd.s32 $0x1, s29;
	s0 =	sshll.u32 s31, $0x6;
	[sflag:s19] =	ssyncset.done $0x0  }
0xaf: {  	p0 =	sne.s32 s29, s13;
	s0 =	sor.u32 $0x1C03, s0;
	[sflag:s19] =	ssyncadd.s32 $0xFFFFC000  }
.Ltmp2:
0xb0: {  	s2 =	sshrl.u32 s5, $0x3;
	[bflag:$0x0] =	sbarrier.arrive $0xFFFF;
	(pc) =	sbr.rel @p0 .LBB2_1-.Ltmp2, $4  }
0xb1: {  	[hbm:s12], [sflag:s0] =	dma.local [spmem:s2], $0x2800  }
0xb2: {  	_ =	swait.ge [sflag:s19], $0x2800  }
0xb3: {  	[sflag:s19] =	ssyncset.done $0x0  }
0xb4: {  	[sflag:s19] =	ssyncadd.s32 $0xFFFFD800  }
0xb5: {  	_ =	sfence.sel $0x180000  }
0xb6: {  	[bflag:$0x0] =	sbarrier.arrive $0xFFFF  }
0xb7: {  	_ =	strace $0x90000047  }
0xb8: {  	s0 =	stileid.u32;
	[bflag:$0x2] =	sbarrier.arrive $0xFFFF  }
0xb9: {  	p0 =	sne.s32 s0, $0x0;
	s0 =	rddreg [dreg:$0x3]  }
0xba: {  	s0 =	sadd.s32 @!p0 $0x100000, s0  }
0xbb: {  	[sflag:s0] =	ssyncadd.tile.s32 @!p0 $0x1;
	_ =	shalt  }
.Lfunc_end2:
_tile_overlayer_lowered:
.L_overlay_start_2:
0xbc: {  	(tag) =	ssettag $0x2  }
0xbd: {  	s0 =	rddreg [dreg:$0x0];
	s2 =	stileid.u32  }
0xbe: {  	s1 =	rddreg [dreg:$0x1];
	p0 =	sne.s32 s2, $0x0  }
0xbf: {  	s3 =	rddreg [dreg:$0x2];
	[bflag:$0x3] =	sbarrier.arrive $0xFFFF;
	s2 =	simm.s32 @!p0 $0x1C03  }
0xc0: {  	[timem:s3], [sflag:s2] =	dma.local @!p0 [hbm:s0], s1  }
0xc1: {  	s0 =	simm.s32 @!p0 $0x3  }
0xc2: {  	_ =	swait.ge @!p0 [sflag:s0], s1  }
0xc3: {  	s1 =	ssub.s32 @!p0 $0x0, s1;
	[sflag:s0] =	ssyncset.done @!p0 $0x0  }
0xc4: {  	[sflag:s0] =	ssyncadd.s32 @!p0 s1  }
0xc5: {  	[bflag:$0x3] =	sbarrier.arrive $0xFFFF  }
0xc6: {  	_ =	shalt  }

// kernel: kernel.13.cloned.1.call-start
scs
__scs_entry_jumppad:
0x0: {  	(pc) =	sbr.rel $0x88, $3  }
0x1: {  	(tag) =	ssettag $0x0;
	lr =	simm.s32 $0x1  }
0x2: {  	[smem:$0x3F99] =	sst lr;
	_ =	strace $0xD0000000  }
0x3: {  	_ = 	snop  }
0x4: {  	_ = 	snop  }
0x5: {  	_ = 	snop  }
0x6: {  	_ = 	snop  }
0x7: {  	_ = 	snop  }
__scs_overlays_trampoline_lowered:
0x8: {  	[smem:$0x3FA8] =	sst s0  }
0x9: {  	[smem:$0x3FA9] =	sst s1  }
0xa: {  	[smem:$0x3FAA] =	sst s2  }
0xb: {  	[smem:$0x3FAB] =	sst s3  }
0xc: {  	[smem:$0x3FAC] =	sst s4  }
0xd: {  	[smem:$0x3FAD] =	sst s5  }
0xe: {  	[smem:$0x3FAE] =	sst s6  }
0xf: {  	[smem:$0x3FAF] =	sst s7  }
0x10: {  	[smem:$0x3FB0] =	sst s8  }
0x11: {  	[smem:$0x3FB1] =	sst s9;
	s0 =	simm.s32 @!p0 $0x0  }
0x12: {  	s1 =	sld [smem:$0x3F97];
	s0 =	simm.s32 @p0 $0x1  }
0x13: {  	[smem:$0x3FB2] =	sst s0;
	s0 =	simm.s32 @!p1 $0x0  }
0x14: {  	s2 =	sld [smem:$0x3F96];
	s0 =	simm.s32 @p1 $0x1  }
0x15: {  	[smem:$0x3FB3] =	sst s0;
	s0 =	simm.s32 @!p2 $0x0  }
0x16: {  	s3 =	sld [smem:$0x3FDB];
	s0 =	simm.s32 @p2 $0x1  }
0x17: {  	s4 =	simm.s32 $0x1BF5;
	[smem:$0x3FB5] =	sst s0  }
0x18: {  	s0 =	sld [smem:$0x3F98];
	_ =	swait.ge [sflag:s4], $0x0  }
0x19: {  	s7 =	sld [smem:$0x3F99]  }
0x1a: {  	s8 =	sadd.s32 $0xFFFFE003, lr  }
0x1b: {  	s9 =	sadd.s32 $0xFFFFFEF7, lr;
	s5 =	simm.s32 $0xFFFFFFFF;
	p2 =	slt.u32 s8, $0xFFFFF086  }
0x1c: {  	p1 =	slt.u32 s9, $0xF7A;
	s5 =	simm.s32 @!p2 $0x0  }
0x1d: {  	s5 =	simm.s32 @p1 $0x1;
	p0 =	seq.s32 s7, s2  }
0x1e: {  	s7 =	smul.u32 @!p0 $0xF7A, s2;
	p2 =	seq.s32 @!p0 s5, $0x0  }
0x1f: {  	s9 =	smul.u32 $0xF7A, s1;
	s8 =	simm.s32 @!p0 $0x1BF5;
	p2 =	por !p2, p0  }
0x20: {  	[sflag:s8] =	ssyncset.s32 @!p0 $0xFFFFF086;
	s6 =	sadd.s32 @!p0 s3, s7;
	s7 =	simm.s32 @!p0 $0x108  }
0x21: {  	s3 =	sadd.s32 s3, s9;
	s6 =	sadd.s32 @!p0 $0x88, s6;
	s7 =	simm.s32 @p2 $0x1082  }
0x22: {  	[simem:s7], [sflag:s8] =	dma.local @!p0 [hbm:s6], $0xF7A  }
0x23: {  	s9 =	sor.u32 $0xD0000000, s2;
	s6 =	simm.s32 $0x108;
	_ =	swait.ge @!p0 [sflag:s8], $0x0  }
0x24: {  	s3 =	sadd.s32 $0x88, s3;
	s6 =	simm.s32 @!p1 $0x1082;
	[sflag:s4] =	ssyncset.s32 $0xFFFFF086  }
0x25: {  	[simem:s6], [sflag:s4] =	dma.local [hbm:s3], $0xF7A  }
0x26: {  	[smem:$0x3F99] =	sst s1;
	(tag) =	ssettag s2;
	_ =	strace s9  }
0x27: {  	s1 =	sld [smem:$0x3FA9]  }
0x28: {  	s2 =	sld [smem:$0x3FAA]  }
0x29: {  	s4 =	sld [smem:$0x3FAC]  }
0x2a: {  	p0 =	seq.s32 s5, $0x0;
	s5 =	sld [smem:$0x3FAD]  }
0x2b: {  	s6 =	sld [smem:$0x3FAE]  }
0x2c: {  	s7 =	sld [smem:$0x3FAF]  }
0x2d: {  	s3 =	simm.s32 $0x108;
	s8 =	sld [smem:$0x3FB0]  }
0x2e: {  	s3 =	simm.s32 @!p0 $0x1082;
	s9 =	sld [smem:$0x3FB1]  }
0x2f: {  	lr =	sadd.s32 s0, s3;
	s0 =	sld [smem:$0x3FA8]  }
0x30: {  	s3 =	sld [smem:$0x3FAB]  }
0x31: {  	[smem:$0x3FB4] =	sst s10  }
0x32: {  	s10 =	sld [smem:$0x3FB2];
	_ =	sdelay $0x3  }
0x33: {  	p0 =	seq.s32 s10, $0x1;
	s10 =	sld [smem:$0x3FB4];
	_ =	sdelay $0x3  }
0x34: {  	[smem:$0x3FB4] =	sst s10  }
0x35: {  	s10 =	sld [smem:$0x3FB3];
	_ =	sdelay $0x3  }
0x36: {  	p1 =	seq.s32 s10, $0x1;
	s10 =	sld [smem:$0x3FB4];
	_ =	sdelay $0x3  }
0x37: {  	[smem:$0x3FB4] =	sst s10  }
0x38: {  	s10 =	sld [smem:$0x3FB5]  }
0x39: {  	_ = 	snop;
	(pc) =	sbr.ind lr, $3  }
0x3a: {  	_ = 	snop  }
0x3b: {  	_ = 	snop  }
0x3c: {  	p2 =	seq.s32 s10, $0x1;
	s10 =	sld [smem:$0x3FB4]  }
0x3d: {  	_ =	shalt  }
0x3e: {  	_ =	shalt  }
0x3f: {  	_ =	shalt  }
0x40: {  	_ =	shalt  }
0x41: {  	_ =	shalt  }
0x42: {  	_ =	shalt  }
0x43: {  	_ =	shalt  }
0x44: {  	_ =	shalt  }
0x45: {  	_ =	shalt  }
0x46: {  	_ =	shalt  }
0x47: {  	_ =	shalt  }
0x48: {  	_ =	shalt  }
0x49: {  	_ =	shalt  }
0x4a: {  	_ =	shalt  }
0x4b: {  	_ =	shalt  }
0x4c: {  	_ =	shalt  }
0x4d: {  	_ =	shalt  }
0x4e: {  	_ =	shalt  }
0x4f: {  	_ =	shalt  }
0x50: {  	_ =	shalt  }
0x51: {  	_ =	shalt  }
0x52: {  	_ =	shalt  }
0x53: {  	_ =	shalt  }
0x54: {  	_ =	shalt  }
0x55: {  	_ =	shalt  }
0x56: {  	_ =	shalt  }
0x57: {  	_ =	shalt  }
0x58: {  	_ =	shalt  }
0x59: {  	_ =	shalt  }
0x5a: {  	_ =	shalt  }
0x5b: {  	_ =	shalt  }
0x5c: {  	_ =	shalt  }
0x5d: {  	_ =	shalt  }
0x5e: {  	_ =	shalt  }
0x5f: {  	_ =	shalt  }
0x60: {  	_ =	shalt  }
0x61: {  	_ =	shalt  }
0x62: {  	_ =	shalt  }
0x63: {  	_ =	shalt  }
0x64: {  	_ =	shalt  }
0x65: {  	_ =	shalt  }
0x66: {  	_ =	shalt  }
0x67: {  	_ =	shalt  }
0x68: {  	_ =	shalt  }
0x69: {  	_ =	shalt  }
0x6a: {  	_ =	shalt  }
0x6b: {  	_ =	shalt  }
0x6c: {  	_ =	shalt  }
0x6d: {  	_ =	shalt  }
0x6e: {  	_ =	shalt  }
0x6f: {  	_ =	shalt  }
0x70: {  	_ =	shalt  }
0x71: {  	_ =	shalt  }
0x72: {  	_ =	shalt  }
0x73: {  	_ =	shalt  }
0x74: {  	_ =	shalt  }
0x75: {  	_ =	shalt  }
0x76: {  	_ =	shalt  }
0x77: {  	_ =	shalt  }
0x78: {  	_ =	shalt  }
0x79: {  	_ =	shalt  }
0x7a: {  	_ =	shalt  }
0x7b: {  	_ =	shalt  }
0x7c: {  	_ =	shalt  }
0x7d: {  	_ =	shalt  }
0x7e: {  	_ =	shalt  }
0x7f: {  	_ =	shalt  }
0x80: {  	_ =	shalt  }
0x81: {  	_ =	shalt  }
0x82: {  	_ =	shalt  }
0x83: {  	_ =	shalt  }
0x84: {  	_ =	shalt  }
0x85: {  	_ =	shalt  }
0x86: {  	_ =	shalt  }
0x87: {  	_ =	shalt  }
.Lfunc_end0:
.L_simem_size_0:
called_computation.2_lowered:
.L_overlay_start_0:
0x88: {  	s2 =	sld [smem:$0x3FD9]  }
0x89: {  	s3 =	sld [smem:$0x3FFE];
	_ =	sdelay $0x1  }
0x8a: {  	s1 =	srdreg.scid  }
0x8b: {  	s0 =	sand.u32 $0x1, s1  }
0x8c: {  	s17 =	sshll.u32 s0, $0xA;
	s2 =	sadd.s32 s3, s2  }
0x8d: {  	s2 =	sadd.s32 s2, s17  }
0x8e: {  	[smem:$0x3FC0] =	sst s2  }
0x8f: {  	_ = 	snop  }
0x90: {  	s2 =	sld [smem:$0x3FD0];
	(tm) =	ssettm $0x1  }
0x91: {  	s18 =	sld [smem:$0x3FFB];
	_ =	sdelay $0x3  }
0x92: {  	_ =	strace s18  }
0x93: {  	s3 =	sld [smem:$0x3FFC];
	_ =	sdelay $0x3  }
0x94: {  	_ =	strace s3  }
0x95: {  	s3 =	sld [smem:$0x3FFD];
	_ =	sdelay $0x3  }
0x96: {  	_ =	strace s3  }
0x97: {  	_ =	strace $0x8FFFFFFF  }
0x98: {  	s19 =	sld [smem:$0x3FDB];
	_ =	sdelay $0x1  }
0x99: {  	s4 =	simm.s32 $_scs_section_size  }
0x9a: {  	s5 =	simm.s32 $_size__tile_overlayer_lowered;
	s6 =	simm.s32 $_tile_overlayer_lowered  }
0x9b: {  	s22 =	simm.s32 $0x1BFF;
	s21 =	sshll.u32 s6, $0x1;
	s3 =	sadd.s32 s4, s19  }
0x9c: {  	s7 =	simm.s32 $0x0;
	s20 =	sshll.u32 s5, $0x1;
	s5 =	sadd.s32 s21, s3  }
0x9d: {  	[timem:s7], [sflag:s22] =	dma.local [hbm:s5], s20  }
0x9e: {  	_ =	swait.ge [sflag:s22], s20  }
0x9f: {  	s4 =	ssub.s32 $0x0, s20;
	[sflag:s22] =	ssyncset.done $0x0  }
0xa0: {  	[sflag:s22] =	ssyncadd.s32 s4;
	_ =	sdelay $0x1  }
0xa1: {  	s23 =	simm.s32 $0x1B8B  }
0xa2: {  	_ =	swait.ge [sflag:s23], $0x1  }
0xa3: {  	[sflag:s23] =	ssyncset.done $0x0  }
0xa4: {  	s25 =	simm.s32 $0x1B8E;
	s24 =	sld [smem:$0x3FFE];
	[sflag:s23] =	ssyncadd.s32 $0xFFFFFFFF  }
0xa5: {  	s26 =	simm.s32 $execute0_lowered;
	[smem:$0x3FD2] =	sst s25  }
0xa6: {  	s5 =	sshll.u32 s26, $0x1;
	_ =	strace $0x8000004C;
	[dreg:$0x1] =	wrdreg $0xFFFFFFFF  }
0xa7: {  	s28 =	simm.s32 $_size_execute0_lowered;
	s3 =	sadd.s32 s3, s5;
	[dreg:$0x0] =	wrdreg $0x0  }
0xa8: {  	s5 =	sshll.u32 s28, $0x1;
	[dreg:$0x2] =	wrdreg s3  }
0xa9: {  	[dreg:$0x3] =	wrdreg s5  }
0xaa: {  	[dreg:$0x4] =	wrdreg $0xC0  }
0xab: {  	_ =	task [dreg:s7], $0x5FFFF  }
0xac: {  	[dreg:$0x1] =	wrdreg $0xFFFFFFFF  }
0xad: {  	[dreg:$0x0] =	wrdreg $0x60  }
0xae: {  	[dreg:$0x2] =	wrdreg s2  }
0xaf: {  	[dreg:$0x3] =	wrdreg s24  }
0xb0: {  	[dreg:$0x4] =	wrdreg $0x0  }
0xb1: {  	[dreg:$0x5] =	wrdreg $0x9  }
0xb2: {  	_ =	task.clear_ibuf [dreg:s7], $0x6FFFF;
	_ =	strace $0x9000004C  }
0xb3: {  	s29 =	simm.s32 $0x9;
	_ =	strace $0x8000004E  }
0xb4: {  	_ =	swait.ge [sflag:s29], $0x1  }
0xb5: {  	[sflag:s29] =	ssyncadd.s32 $0xFFFFFFFF  }
0xb6: {  	_ =	strace $0x9000004E  }
0xb7: {  	_ =	sfence  }
0xb8: {  	s30 =	sld [smem:$0x0];
	_ =	sdelay $0x2  }
0xb9: {  	s31 =	sshll.u32 s1, $0xD;
	s1 =	sshrl.u32 s1, $0x2  }
0xba: {  	s3 =	sand.u32 $0x4000, s31;
	s1 =	sadd.s32 s1, s30  }
0xbb: {  	s0 =	sor.u32 s3, s0;
	s1 =	sshll.u32 s1, $0x11  }
0xbc: {  	s0 =	sor.u32 s1, s0  }
0xbd: {  	s0 =	sadd.s32 $0x8F2B, s0  }
0xbe: {  	[sflag:s0] =	ssyncadd.remote.s32 $0x1  }
0xbf: {  	_ =	sfence.sel $0xFFFF  }
0xc0: {  	[dreg:$0x0] =	wrdreg $0xFFFFFFFF;
	(pc) =	sbr.abs _section_cstart, $3  }
0xc1: {  	[dreg:$0x1] =	wrdreg $0xFFFFFFFF  }
0xc2: {  	_ =	task.clear_ibuf [dreg:s7], $0x2FFFF;
	_ =	strace $0x9FFFFFFF  }
0xc3: {  	(tm) =	ssettm $0x7FFFFFFF  }
tec
execute0_lowered:
.L_overlay_start_1:
0x0: {  	(tag) =	ssettag $0x1  }
0x1: {  	s1 =	rddreg [dreg:$0x0]  }
0x2: {  	s0 =	rddreg [dreg:$0x1]  }
0x3: {  	s3 =	rddreg [dreg:$0x2]  }
0x4: {  	s5 =	srdreg.scid;
	s2 =	stileid.u32  }
0x5: {  	s4 =	simm.s32 $0x0;
	s18 =	simm.s32 $0x14200;
	s19 =	simm.s32 $0x3  }
0x6: {  	s20 =	simm.s32 $0x14000;
	s21 =	simm.s32 $0x14080;
	s22 =	simm.s32 $0x80  }
0x7: {  	s28 =	simm.s32 $0x2;
	s29 =	simm.s32 $0x0;
	s23 =	smul.u32 $0x2800, s2  }
0x8: {  	s6 =	sand.u32 $0x1, s5;
	[smem:$0x7FF] =	sst s4;
	s24 =	smul.u32 $0x50000, s2  }
0x9: {  	s17 =	sadd.s32 $0xBE00, s0;
	s16 =	sadd.s32 $0x2000, s0;
	s12 =	smul.u32 $0x2780, s2  }
0xa: {  	s7 =	smul.u32 $0x28000, s6;
	_ =	strace $0x8000004D;
	s8 =	sshll.u32 s6, $0x4  }
0xb: {  	s25 =	ssub.s32 $0x2, s6;
	s11 =	smul.u32 $0x27800, s6;
	s8 =	sor.u32 s2, s8  }
0xc: {  	s9 =	sshrl.u32 s25, $0x1;
	s5 =	sadd.s32 s23, s7;
	s7 =	sshrl.u32 s24, $0x2  }
0xd: {  	s8 =	smul.u32 $0x2780, s8;
	s13 =	ssub.s32 s25, s9;
	s15 =	sadd.s32 s12, s11  }
0xe: {  	s23 =	simm.s32 $0x14100;
	s24 =	simm.s32 $0x14180;
	s25 =	simm.s32 $0x18200  }
0xf: {  	s0 =	sadd.s32 s5, s0;
	s5 =	sadd.s32 s7, s3;
	s31 =	sadd.s32 $0x80, s15  }
0x10: {  	s13 =	smax.u32 s13, $0x1;
	s15 =	sshrl.u32 s15, $0x3;
	s26 =	sadd.s32 $0x4000, s5  }
0x11: {  	s30 =	sshrl.u32 s8, $0x3;
	s7 =	sadd.s32 $0x8000, s5;
	s8 =	sadd.s32 $0xC000, s5  }
0x12: {  	s9 =	sadd.s32 $0x10000, s5;
	s12 =	sadd.s32 $0x15C00, s0;
	s0 =	sshrl.u32 s31, $0x3  }
0x13: {  	[dreg:$0x4] =	wrdreg s26;
	s14 =	sadd.s32 $0x4E0, s30;
	s26 =	simm.s32 $0x1  }
0x14: {  	s10 =	sadd.s32 s17, s14;
	s11 =	sadd.s32 s16, s14;
	s14 =	sadd.s32 s15, s16  }
0x15: {  	v0 =	vimm.f32 $0.0e+00;
	s15 =	sadd.s32 s15, s17;
	s16 =	sadd.s32 s0, s16;
	s17 =	sadd.s32 s0, s17  }
.LBB2_1:
0x16: {  	s30 =	simm.s32 $0x0;
	s31 =	simm.s32 $0x200  }
.LBB2_2:
0x17: {  	p0 =	sne.s32 s31, $0xFE00;
	[tilespmem:s30+$0x14270] =	vst v0  }
0x18: {  	[tilespmem:s30+$0x14200] =	vst v0  }
0x19: {  	[tilespmem:s30+$0x14210] =	vst v0  }
.Ltmp0:
0x1a: {  	[tilespmem:s30+$0x14220] =	vst v0;
	(pc) =	sbr.rel @p0 .LBB2_2-.Ltmp0, $4  }
0x1b: {  	[tilespmem:s30+$0x14230] =	vst v0  }
0x1c: {  	[tilespmem:s30+$0x14240] =	vst v0  }
0x1d: {  	[tilespmem:s30+$0x14250] =	vst v0  }
0x1e: {  	[tilespmem:s30+$0x14260] =	vst v0;
	s30 =	sshra.s32 s31, $0x2;
	s31 =	sadd.s32 $0x200, s31  }
0x1f: {  	[tilespmem:s30+$0x14270] =	vst v0  }
0x20: {  	[tilespmem:s30+$0x14200] =	vst v0  }
0x21: {  	[tilespmem:s30+$0x14210] =	vst v0  }
0x22: {  	[tilespmem:s30+$0x14220] =	vst v0  }
0x23: {  	[tilespmem:s30+$0x14230] =	vst v0  }
0x24: {  	[tilespmem:s30+$0x14240] =	vst v0  }
0x25: {  	[tilespmem:s30+$0x14250] =	vst v0  }
0x26: {  	[tilespmem:s30+$0x14260] =	vst v0  }
0x27: {  	[spmem:s5] =	stream.linear.scatter [tilespmem:s18], [sflag:$0x3], $0x4000, $0x38;
	[tilespmem:$0x1C200] =	vst v63  }
0x28: {  	_ =	swait.ge [sflag:s19], $0x4000  }
0x29: {  	[sflag:s19] =	ssyncset.done $0x0  }
0x2a: {  	s0 =	rddreg [dreg:$0x4];
	[sflag:s19] =	ssyncadd.s32 $0xFFFFC000  }
0x2b: {  	[spmem:s0] =	stream.linear.scatter [tilespmem:s18], [sflag:$0x3], $0x4000, $0x38;
	[tilespmem:$0x1C200] =	vst v63  }
0x2c: {  	_ =	swait.ge [sflag:s19], $0x4000  }
0x2d: {  	[sflag:s19] =	ssyncset.done $0x0  }
0x2e: {  	[sflag:s19] =	ssyncadd.s32 $0xFFFFC000  }
0x2f: {  	[spmem:s7] =	stream.linear.scatter [tilespmem:s18], [sflag:$0x3], $0x4000, $0x38;
	[tilespmem:$0x1C200] =	vst v63  }
0x30: {  	_ =	swait.ge [sflag:s19], $0x4000  }
0x31: {  	[sflag:s19] =	ssyncset.done $0x0  }
0x32: {  	[sflag:s19] =	ssyncadd.s32 $0xFFFFC000  }
0x33: {  	[spmem:s8] =	stream.linear.scatter [tilespmem:s18], [sflag:$0x3], $0x4000, $0x38;
	[tilespmem:$0x1C200] =	vst v63  }
0x34: {  	_ =	swait.ge [sflag:s19], $0x4000  }
0x35: {  	[sflag:s19] =	ssyncset.done $0x0  }
0x36: {  	[sflag:s19] =	ssyncadd.s32 $0xFFFFC000  }
0x37: {  	[spmem:s9] =	stream.linear.scatter [tilespmem:s18], [sflag:$0x3], $0x4000, $0x38;
	[tilespmem:$0x1C200] =	vst v63  }
0x38: {  	_ =	swait.ge [sflag:s19], $0x4000  }
0x39: {  	[sflag:s19] =	ssyncset.done $0x0  }
0x3a: {  	[sflag:s19] =	ssyncadd.s32 $0xFFFFC000  }
0x3b: {  	s2 =	sadd.s32 $0x0, s15;
	[bflag:$0x0] =	sbarrier.arrive $0xFFFF  }
0x3c: {  	[tilespmem:s20], [sflag:$0x3] =	stream.linear.gather [hbm4b:s2+s4], $0x80, $0x38;
	[tilespmem:$0x1C200] =	vst v63  }
0x3d: {  	_ =	swait.ge [sflag:s19], $0x80  }
0x3e: {  	[sflag:s19] =	ssyncset.done $0x0  }
0x3f: {  	s6 =	sadd.s32 $0x0, s14;
	[sflag:s19] =	ssyncadd.s32 $0xFFFFFF80  }
0x40: {  	[tilespmem:s21], [sflag:$0x3] =	stream.linear.gather [hbm4b:s6+s4], $0x80, $0x38;
	[tilespmem:$0x1C200] =	vst v63  }
0x41: {  	_ =	swait.ge [sflag:s19], $0x80  }
0x42: {  	[sflag:s19] =	ssyncset.done $0x0  }
0x43: {  	[sflag:s19] =	ssyncadd.s32 $0xFFFFFF80  }
0x44: {  	[tilespmem:s18], [sflag:$0x1] =	stream.indirect.gather [hbm4b:s1+s22], $0x80, s20, s22, $0xb8;
	[tilespmem:$0x1C200] =	vst v63  }
0x45: {  	s2 =	sadd.s32 $0x0, s17  }
0x46: {  	[tilespmem:s23], [sflag:$0x3] =	stream.linear.gather [hbm4b:s2+s4], $0x80, $0x38;
	[tilespmem:$0x1C200] =	vst v63  }
0x47: {  	_ =	swait.ge [sflag:s19], $0x80  }
0x48: {  	[sflag:s19] =	ssyncset.done $0x0  }
0x49: {  	s6 =	sadd.s32 $0x0, s16;
	[sflag:s19] =	ssyncadd.s32 $0xFFFFFF80  }
0x4a: {  	[tilespmem:s24], [sflag:$0x3] =	stream.linear.gather [hbm4b:s6+s4], $0x80, $0x38;
	[tilespmem:$0x1C200] =	vst v63  }
0x4b: {  	_ =	swait.ge [sflag:s19], $0x80  }
0x4c: {  	[sflag:s19] =	ssyncset.done $0x0  }
0x4d: {  	[sflag:s19] =	ssyncadd.s32 $0xFFFFFF80  }
0x4e: {  	[tilespmem:s25], [sflag:$0x2] =	stream.indirect.gather [hbm4b:s1+s22], $0x80, s23, s22, $0xb8;
	[tilespmem:$0x1C200] =	vst v63  }
0x4f: {  	_ =	swait.ge [sflag:s26], $0x4000  }
0x50: {  	[sflag:s26] =	ssyncset.done $0x0  }
0x51: {  	[sflag:s26] =	ssyncadd.s32 $0xFFFFC000  }
0x52: {  	[spmem:s3] =	stream.indirect.scatter.add.f32 [tilespmem:s18], [sflag:$0x3], $0x80, s21, s22, $0xb8;
	[tilespmem:$0x1C200] =	vst v63  }
0x53: {  	_ =	swait.ge [sflag:s19], $0x4000  }
0x54: {  	[sflag:s19] =	ssyncset.done $0x0  }
0x55: {  	[sflag:s19] =	ssyncadd.s32 $0xFFFFC000  }
0x56: {  	_ =	swait.ge [sflag:s28], $0x4000  }
0x57: {  	[sflag:s28] =	ssyncset.done $0x0  }
0x58: {  	[sflag:s28] =	ssyncadd.s32 $0xFFFFC000  }
0x59: {  	[spmem:s3] =	stream.indirect.scatter.add.f32 [tilespmem:s25], [sflag:$0x3], $0x80, s24, s22, $0xb8;
	[tilespmem:$0x1C200] =	vst v63  }
0x5a: {  	_ =	swait.ge [sflag:s19], $0x4000  }
0x5b: {  	s30 =	simm.s32 $0x20;
	s31 =	simm.s32 $0x40;
	[sflag:s19] =	ssyncset.done $0x0  }
.LBB2_4:
0x5c: {  	s2 =	sadd.s32 s30, s15  }
0x5d: {  	[sflag:s19] =	ssyncadd.s32 $0xFFFFC000;
	s6 =	smov.u32 s31;
	s0 =	sadd.s32 $0x20, s31  }
0x5e: {  	[tilespmem:s20], [sflag:$0x3] =	stream.linear.gather [hbm4b:s2+s4], $0x80, $0x38;
	[tilespmem:$0x1C200] =	vst v63  }
0x5f: {  	p0 =	sne.s32 s31, $0x4C0;
	_ =	swait.ge [sflag:s19], $0x80  }
0x60: {  	[sflag:s19] =	ssyncset.done $0x0  }
0x61: {  	s2 =	sadd.s32 s30, s14;
	[sflag:s19] =	ssyncadd.s32 $0xFFFFFF80  }
0x62: {  	[tilespmem:s21], [sflag:$0x3] =	stream.linear.gather [hbm4b:s2+s4], $0x80, $0x38;
	[tilespmem:$0x1C200] =	vst v63  }
0x63: {  	_ =	swait.ge [sflag:s19], $0x80  }
0x64: {  	[sflag:s19] =	ssyncset.done $0x0  }
0x65: {  	[sflag:s19] =	ssyncadd.s32 $0xFFFFFF80  }
0x66: {  	[tilespmem:s18], [sflag:$0x1] =	stream.indirect.gather [hbm4b:s1+s22], $0x80, s20, s22, $0xb8;
	[tilespmem:$0x1C200] =	vst v63  }
0x67: {  	s2 =	sadd.s32 s30, s17  }
0x68: {  	[tilespmem:s23], [sflag:$0x3] =	stream.linear.gather [hbm4b:s2+s4], $0x80, $0x38;
	[tilespmem:$0x1C200] =	vst v63  }
0x69: {  	_ =	swait.ge [sflag:s19], $0x80  }
0x6a: {  	[sflag:s19] =	ssyncset.done $0x0  }
0x6b: {  	s2 =	sadd.s32 s30, s16;
	s30 =	smov.u32 s6;
	[sflag:s19] =	ssyncadd.s32 $0xFFFFFF80  }
0x6c: {  	[tilespmem:s24], [sflag:$0x3] =	stream.linear.gather [hbm4b:s2+s4], $0x80, $0x38;
	[tilespmem:$0x1C200] =	vst v63  }
0x6d: {  	_ =	swait.ge [sflag:s19], $0x80  }
0x6e: {  	[sflag:s19] =	ssyncset.done $0x0  }
0x6f: {  	[sflag:s19] =	ssyncadd.s32 $0xFFFFFF80  }
0x70: {  	[tilespmem:s25], [sflag:$0x2] =	stream.indirect.gather [hbm4b:s1+s22], $0x80, s23, s22, $0xb8;
	[tilespmem:$0x1C200] =	vst v63  }
0x71: {  	_ =	swait.ge [sflag:s26], $0x4000  }
0x72: {  	[sflag:s26] =	ssyncset.done $0x0  }
0x73: {  	[sflag:s26] =	ssyncadd.s32 $0xFFFFC000  }
0x74: {  	[spmem:s3] =	stream.indirect.scatter.add.f32 [tilespmem:s18], [sflag:$0x3], $0x80, s21, s22, $0xb8;
	[tilespmem:$0x1C200] =	vst v63  }
0x75: {  	_ =	swait.ge [sflag:s19], $0x4000  }
0x76: {  	[sflag:s19] =	ssyncset.done $0x0  }
0x77: {  	[sflag:s19] =	ssyncadd.s32 $0xFFFFC000  }
0x78: {  	_ =	swait.ge [sflag:s28], $0x4000  }
.Ltmp1:
0x79: {  	[sflag:s28] =	ssyncset.done $0x0;
	(pc) =	sbr.rel @p0 .LBB2_4-.Ltmp1, $4  }
0x7a: {  	[sflag:s28] =	ssyncadd.s32 $0xFFFFC000  }
0x7b: {  	[spmem:s3] =	stream.indirect.scatter.add.f32 [tilespmem:s25], [sflag:$0x3], $0x80, s24, s22, $0xb8;
	[tilespmem:$0x1C200] =	vst v63  }
0x7c: {  	_ =	swait.ge [sflag:s19], $0x4000  }
0x7d: {  	s31 =	smov.u32 s0;
	[sflag:s19] =	ssyncset.done $0x0  }
0x7e: {  	s0 =	sadd.s32 s30, s15;
	[sflag:s19] =	ssyncadd.s32 $0xFFFFC000  }
0x7f: {  	[tilespmem:s20], [sflag:$0x3] =	stream.linear.gather [hbm4b:s0+s4], $0x80, $0x38;
	[tilespmem:$0x1C200] =	vst v63  }
0x80: {  	_ =	swait.ge [sflag:s19], $0x80  }
0x81: {  	[sflag:s19] =	ssyncset.done $0x0  }
0x82: {  	s2 =	sadd.s32 s30, s14;
	[sflag:s19] =	ssyncadd.s32 $0xFFFFFF80  }
0x83: {  	[tilespmem:s21], [sflag:$0x3] =	stream.linear.gather [hbm4b:s2+s4], $0x80, $0x38;
	[tilespmem:$0x1C200] =	vst v63  }
0x84: {  	_ =	swait.ge [sflag:s19], $0x80  }
0x85: {  	[sflag:s19] =	ssyncset.done $0x0  }
0x86: {  	[sflag:s19] =	ssyncadd.s32 $0xFFFFFF80  }
0x87: {  	[tilespmem:s18], [sflag:$0x1] =	stream.indirect.gather [hbm4b:s1+s22], $0x80, s20, s22, $0xb8;
	[tilespmem:$0x1C200] =	vst v63  }
0x88: {  	s6 =	sadd.s32 s30, s17  }
0x89: {  	[tilespmem:s23], [sflag:$0x3] =	stream.linear.gather [hbm4b:s6+s4], $0x80, $0x38;
	[tilespmem:$0x1C200] =	vst v63  }
0x8a: {  	_ =	swait.ge [sflag:s19], $0x80  }
0x8b: {  	[sflag:s19] =	ssyncset.done $0x0  }
0x8c: {  	s30 =	sadd.s32 s30, s16;
	[sflag:s19] =	ssyncadd.s32 $0xFFFFFF80  }
0x8d: {  	[tilespmem:s24], [sflag:$0x3] =	stream.linear.gather [hbm4b:s30+s4], $0x80, $0x38;
	[tilespmem:$0x1C200] =	vst v63  }
0x8e: {  	_ =	swait.ge [sflag:s19], $0x80  }
0x8f: {  	[sflag:s19] =	ssyncset.done $0x0  }
0x90: {  	[sflag:s19] =	ssyncadd.s32 $0xFFFFFF80  }
0x91: {  	[tilespmem:s25], [sflag:$0x2] =	stream.indirect.gather [hbm4b:s1+s22], $0x80, s23, s22, $0xb8;
	[tilespmem:$0x1C200] =	vst v63  }
0x92: {  	_ =	swait.ge [sflag:s26], $0x4000  }
0x93: {  	[sflag:s26] =	ssyncset.done $0x0  }
0x94: {  	[sflag:s26] =	ssyncadd.s32 $0xFFFFC000  }
0x95: {  	[spmem:s3] =	stream.indirect.scatter.add.f32 [tilespmem:s18], [sflag:$0x3], $0x80, s21, s22, $0xb8;
	[tilespmem:$0x1C200] =	vst v63  }
0x96: {  	_ =	swait.ge [sflag:s19], $0x4000  }
0x97: {  	[sflag:s19] =	ssyncset.done $0x0  }
0x98: {  	[sflag:s19] =	ssyncadd.s32 $0xFFFFC000  }
0x99: {  	_ =	swait.ge [sflag:s28], $0x4000  }
0x9a: {  	[sflag:s28] =	ssyncset.done $0x0  }
0x9b: {  	[sflag:s28] =	ssyncadd.s32 $0xFFFFC000  }
0x9c: {  	[spmem:s3] =	stream.indirect.scatter.add.f32 [tilespmem:s25], [sflag:$0x3], $0x80, s24, s22, $0xb8;
	[tilespmem:$0x1C200] =	vst v63  }
0x9d: {  	_ =	swait.ge [sflag:s19], $0x4000  }
0x9e: {  	[sflag:s19] =	ssyncset.done $0x0  }
0x9f: {  	[sflag:s19] =	ssyncadd.s32 $0xFFFFC000  }
0xa0: {  	[tilespmem:s20], [sflag:$0x3] =	stream.linear.gather [hbm4b:s10+s4], $0x80, $0x38;
	[tilespmem:$0x1C200] =	vst v63  }
0xa1: {  	_ =	swait.ge [sflag:s19], $0x80  }
0xa2: {  	[sflag:s19] =	ssyncset.done $0x0  }
0xa3: {  	[sflag:s19] =	ssyncadd.s32 $0xFFFFFF80  }
0xa4: {  	[tilespmem:s21], [sflag:$0x3] =	stream.linear.gather [hbm4b:s11+s4], $0x80, $0x38;
	[tilespmem:$0x1C200] =	vst v63  }
0xa5: {  	_ =	swait.ge [sflag:s19], $0x80  }
0xa6: {  	[sflag:s19] =	ssyncset.done $0x0  }
0xa7: {  	[sflag:s19] =	ssyncadd.s32 $0xFFFFFF80  }
0xa8: {  	[tilespmem:s18], [sflag:$0x1] =	stream.indirect.gather [hbm4b:s1+s22], $0x80, s20, s22, $0xb8;
	[tilespmem:$0x1C200] =	vst v63  }
0xa9: {  	_ =	swait.ge [sflag:s26], $0x4000  }
0xaa: {  	[sflag:s26] =	ssyncset.done $0x0  }
0xab: {  	[sflag:s26] =	ssyncadd.s32 $0xFFFFC000  }
0xac: {  	[spmem:s3] =	stream.indirect.scatter.add.f32 [tilespmem:s18], [sflag:$0x3], $0x80, s21, s22, $0xb8;
	[tilespmem:$0x1C200] =	vst v63  }
0xad: {  	s31 =	stileid.u32;
	_ =	swait.ge [sflag:s19], $0x4000  }
0xae: {  	s29 =	sadd.s32 $0x1, s29;
	s0 =	sshll.u32 s31, $0x6;
	[sflag:s19] =	ssyncset.done $0x0  }
0xaf: {  	p0 =	sne.s32 s29, s13;
	s0 =	sor.u32 $0x1C03, s0;
	[sflag:s19] =	ssyncadd.s32 $0xFFFFC000  }
.Ltmp2:
0xb0: {  	s2 =	sshrl.u32 s5, $0x3;
	[bflag:$0x0] =	sbarrier.arrive $0xFFFF;
	(pc) =	sbr.rel @p0 .LBB2_1-.Ltmp2, $4  }
0xb1: {  	[hbm:s12], [sflag:s0] =	dma.local [spmem:s2], $0x2800  }
0xb2: {  	_ =	swait.ge [sflag:s19], $0x2800  }
0xb3: {  	[sflag:s19] =	ssyncset.done $0x0  }
0xb4: {  	[sflag:s19] =	ssyncadd.s32 $0xFFFFD800  }
0xb5: {  	_ =	sfence.sel $0x180000  }
0xb6: {  	[bflag:$0x0] =	sbarrier.arrive $0xFFFF  }
0xb7: {  	_ =	strace $0x9000004D  }
0xb8: {  	s0 =	stileid.u32;
	[bflag:$0x2] =	sbarrier.arrive $0xFFFF  }
0xb9: {  	p0 =	sne.s32 s0, $0x0;
	s0 =	rddreg [dreg:$0x3]  }
0xba: {  	s0 =	sadd.s32 @!p0 $0x100000, s0  }
0xbb: {  	[sflag:s0] =	ssyncadd.tile.s32 @!p0 $0x1;
	_ =	shalt  }
.Lfunc_end2:
_tile_overlayer_lowered:
.L_overlay_start_2:
0xbc: {  	(tag) =	ssettag $0x2  }
0xbd: {  	s0 =	rddreg [dreg:$0x0];
	s2 =	stileid.u32  }
0xbe: {  	s1 =	rddreg [dreg:$0x1];
	p0 =	sne.s32 s2, $0x0  }
0xbf: {  	s3 =	rddreg [dreg:$0x2];
	[bflag:$0x3] =	sbarrier.arrive $0xFFFF;
	s2 =	simm.s32 @!p0 $0x1C03  }
0xc0: {  	[timem:s3], [sflag:s2] =	dma.local @!p0 [hbm:s0], s1  }
0xc1: {  	s0 =	simm.s32 @!p0 $0x3  }
0xc2: {  	_ =	swait.ge @!p0 [sflag:s0], s1  }
0xc3: {  	s1 =	ssub.s32 @!p0 $0x0, s1;
	[sflag:s0] =	ssyncset.done @!p0 $0x0  }
0xc4: {  	[sflag:s0] =	ssyncadd.s32 @!p0 s1  }
0xc5: {  	[bflag:$0x3] =	sbarrier.arrive $0xFFFF  }
0xc6: {  	_ =	shalt  }

// kernel: kernel.7.cloned.1.call-start
scs
__scs_entry_jumppad:
0x0: {  	(pc) =	sbr.rel $0x88, $3  }
0x1: {  	(tag) =	ssettag $0x0;
	lr =	simm.s32 $0x1  }
0x2: {  	[smem:$0x3F99] =	sst lr;
	_ =	strace $0xD0000000  }
0x3: {  	_ = 	snop  }
0x4: {  	_ = 	snop  }
0x5: {  	_ = 	snop  }
0x6: {  	_ = 	snop  }
0x7: {  	_ = 	snop  }
__scs_overlays_trampoline_lowered:
0x8: {  	[smem:$0x3FA8] =	sst s0  }
0x9: {  	[smem:$0x3FA9] =	sst s1  }
0xa: {  	[smem:$0x3FAA] =	sst s2  }
0xb: {  	[smem:$0x3FAB] =	sst s3  }
0xc: {  	[smem:$0x3FAC] =	sst s4  }
0xd: {  	[smem:$0x3FAD] =	sst s5  }
0xe: {  	[smem:$0x3FAE] =	sst s6  }
0xf: {  	[smem:$0x3FAF] =	sst s7  }
0x10: {  	[smem:$0x3FB0] =	sst s8  }
0x11: {  	[smem:$0x3FB1] =	sst s9;
	s0 =	simm.s32 @!p0 $0x0  }
0x12: {  	s1 =	sld [smem:$0x3F97];
	s0 =	simm.s32 @p0 $0x1  }
0x13: {  	[smem:$0x3FB2] =	sst s0;
	s0 =	simm.s32 @!p1 $0x0  }
0x14: {  	s2 =	sld [smem:$0x3F96];
	s0 =	simm.s32 @p1 $0x1  }
0x15: {  	[smem:$0x3FB3] =	sst s0;
	s0 =	simm.s32 @!p2 $0x0  }
0x16: {  	s3 =	sld [smem:$0x3FDB];
	s0 =	simm.s32 @p2 $0x1  }
0x17: {  	s4 =	simm.s32 $0x1BF5;
	[smem:$0x3FB5] =	sst s0  }
0x18: {  	s0 =	sld [smem:$0x3F98];
	_ =	swait.ge [sflag:s4], $0x0  }
0x19: {  	s7 =	sld [smem:$0x3F99]  }
0x1a: {  	s8 =	sadd.s32 $0xFFFFE003, lr  }
0x1b: {  	s9 =	sadd.s32 $0xFFFFFEF7, lr;
	s5 =	simm.s32 $0xFFFFFFFF;
	p2 =	slt.u32 s8, $0xFFFFF086  }
0x1c: {  	p1 =	slt.u32 s9, $0xF7A;
	s5 =	simm.s32 @!p2 $0x0  }
0x1d: {  	s5 =	simm.s32 @p1 $0x1;
	p0 =	seq.s32 s7, s2  }
0x1e: {  	s7 =	smul.u32 @!p0 $0xF7A, s2;
	p2 =	seq.s32 @!p0 s5, $0x0  }
0x1f: {  	s9 =	smul.u32 $0xF7A, s1;
	s8 =	simm.s32 @!p0 $0x1BF5;
	p2 =	por !p2, p0  }
0x20: {  	[sflag:s8] =	ssyncset.s32 @!p0 $0xFFFFF086;
	s6 =	sadd.s32 @!p0 s3, s7;
	s7 =	simm.s32 @!p0 $0x108  }
0x21: {  	s3 =	sadd.s32 s3, s9;
	s6 =	sadd.s32 @!p0 $0x88, s6;
	s7 =	simm.s32 @p2 $0x1082  }
0x22: {  	[simem:s7], [sflag:s8] =	dma.local @!p0 [hbm:s6], $0xF7A  }
0x23: {  	s9 =	sor.u32 $0xD0000000, s2;
	s6 =	simm.s32 $0x108;
	_ =	swait.ge @!p0 [sflag:s8], $0x0  }
0x24: {  	s3 =	sadd.s32 $0x88, s3;
	s6 =	simm.s32 @!p1 $0x1082;
	[sflag:s4] =	ssyncset.s32 $0xFFFFF086  }
0x25: {  	[simem:s6], [sflag:s4] =	dma.local [hbm:s3], $0xF7A  }
0x26: {  	[smem:$0x3F99] =	sst s1;
	(tag) =	ssettag s2;
	_ =	strace s9  }
0x27: {  	s1 =	sld [smem:$0x3FA9]  }
0x28: {  	s2 =	sld [smem:$0x3FAA]  }
0x29: {  	s4 =	sld [smem:$0x3FAC]  }
0x2a: {  	p0 =	seq.s32 s5, $0x0;
	s5 =	sld [smem:$0x3FAD]  }
0x2b: {  	s6 =	sld [smem:$0x3FAE]  }
0x2c: {  	s7 =	sld [smem:$0x3FAF]  }
0x2d: {  	s3 =	simm.s32 $0x108;
	s8 =	sld [smem:$0x3FB0]  }
0x2e: {  	s3 =	simm.s32 @!p0 $0x1082;
	s9 =	sld [smem:$0x3FB1]  }
0x2f: {  	lr =	sadd.s32 s0, s3;
	s0 =	sld [smem:$0x3FA8]  }
0x30: {  	s3 =	sld [smem:$0x3FAB]  }
0x31: {  	[smem:$0x3FB4] =	sst s10  }
0x32: {  	s10 =	sld [smem:$0x3FB2];
	_ =	sdelay $0x3  }
0x33: {  	p0 =	seq.s32 s10, $0x1;
	s10 =	sld [smem:$0x3FB4];
	_ =	sdelay $0x3  }
0x34: {  	[smem:$0x3FB4] =	sst s10  }
0x35: {  	s10 =	sld [smem:$0x3FB3];
	_ =	sdelay $0x3  }
0x36: {  	p1 =	seq.s32 s10, $0x1;
	s10 =	sld [smem:$0x3FB4];
	_ =	sdelay $0x3  }
0x37: {  	[smem:$0x3FB4] =	sst s10  }
0x38: {  	s10 =	sld [smem:$0x3FB5]  }
0x39: {  	_ = 	snop;
	(pc) =	sbr.ind lr, $3  }
0x3a: {  	_ = 	snop  }
0x3b: {  	_ = 	snop  }
0x3c: {  	p2 =	seq.s32 s10, $0x1;
	s10 =	sld [smem:$0x3FB4]  }
0x3d: {  	_ =	shalt  }
0x3e: {  	_ =	shalt  }
0x3f: {  	_ =	shalt  }
0x40: {  	_ =	shalt  }
0x41: {  	_ =	shalt  }
0x42: {  	_ =	shalt  }
0x43: {  	_ =	shalt  }
0x44: {  	_ =	shalt  }
0x45: {  	_ =	shalt  }
0x46: {  	_ =	shalt  }
0x47: {  	_ =	shalt  }
0x48: {  	_ =	shalt  }
0x49: {  	_ =	shalt  }
0x4a: {  	_ =	shalt  }
0x4b: {  	_ =	shalt  }
0x4c: {  	_ =	shalt  }
0x4d: {  	_ =	shalt  }
0x4e: {  	_ =	shalt  }
0x4f: {  	_ =	shalt  }
0x50: {  	_ =	shalt  }
0x51: {  	_ =	shalt  }
0x52: {  	_ =	shalt  }
0x53: {  	_ =	shalt  }
0x54: {  	_ =	shalt  }
0x55: {  	_ =	shalt  }
0x56: {  	_ =	shalt  }
0x57: {  	_ =	shalt  }
0x58: {  	_ =	shalt  }
0x59: {  	_ =	shalt  }
0x5a: {  	_ =	shalt  }
0x5b: {  	_ =	shalt  }
0x5c: {  	_ =	shalt  }
0x5d: {  	_ =	shalt  }
0x5e: {  	_ =	shalt  }
0x5f: {  	_ =	shalt  }
0x60: {  	_ =	shalt  }
0x61: {  	_ =	shalt  }
0x62: {  	_ =	shalt  }
0x63: {  	_ =	shalt  }
0x64: {  	_ =	shalt  }
0x65: {  	_ =	shalt  }
0x66: {  	_ =	shalt  }
0x67: {  	_ =	shalt  }
0x68: {  	_ =	shalt  }
0x69: {  	_ =	shalt  }
0x6a: {  	_ =	shalt  }
0x6b: {  	_ =	shalt  }
0x6c: {  	_ =	shalt  }
0x6d: {  	_ =	shalt  }
0x6e: {  	_ =	shalt  }
0x6f: {  	_ =	shalt  }
0x70: {  	_ =	shalt  }
0x71: {  	_ =	shalt  }
0x72: {  	_ =	shalt  }
0x73: {  	_ =	shalt  }
0x74: {  	_ =	shalt  }
0x75: {  	_ =	shalt  }
0x76: {  	_ =	shalt  }
0x77: {  	_ =	shalt  }
0x78: {  	_ =	shalt  }
0x79: {  	_ =	shalt  }
0x7a: {  	_ =	shalt  }
0x7b: {  	_ =	shalt  }
0x7c: {  	_ =	shalt  }
0x7d: {  	_ =	shalt  }
0x7e: {  	_ =	shalt  }
0x7f: {  	_ =	shalt  }
0x80: {  	_ =	shalt  }
0x81: {  	_ =	shalt  }
0x82: {  	_ =	shalt  }
0x83: {  	_ =	shalt  }
0x84: {  	_ =	shalt  }
0x85: {  	_ =	shalt  }
0x86: {  	_ =	shalt  }
0x87: {  	_ =	shalt  }
.Lfunc_end0:
.L_simem_size_0:
called_computation_lowered:
.L_overlay_start_0:
0x88: {  	s2 =	sld [smem:$0x3FD9]  }
0x89: {  	s3 =	sld [smem:$0x3FFE];
	_ =	sdelay $0x1  }
0x8a: {  	s1 =	srdreg.scid  }
0x8b: {  	s0 =	sand.u32 $0x1, s1  }
0x8c: {  	s17 =	sshll.u32 s0, $0xA;
	s2 =	sadd.s32 s3, s2  }
0x8d: {  	s2 =	sadd.s32 s2, s17  }
0x8e: {  	[smem:$0x3FC0] =	sst s2  }
0x8f: {  	_ = 	snop  }
0x90: {  	(tm) =	ssettm $0x1  }
0x91: {  	s18 =	sld [smem:$0x3FFB];
	_ =	sdelay $0x3  }
0x92: {  	_ =	strace s18  }
0x93: {  	s2 =	sld [smem:$0x3FFC];
	_ =	sdelay $0x3  }
0x94: {  	_ =	strace s2  }
0x95: {  	s2 =	sld [smem:$0x3FFD];
	_ =	sdelay $0x3  }
0x96: {  	_ =	strace s2  }
0x97: {  	_ =	strace $0x8FFFFFFF  }
0x98: {  	s19 =	sld [smem:$0x3FDB];
	_ =	sdelay $0x1  }
0x99: {  	s20 =	simm.s32 $_scs_section_size  }
0x9a: {  	s4 =	simm.s32 $_size__tile_overlayer_lowered;
	s5 =	simm.s32 $_tile_overlayer_lowered  }
0x9b: {  	s6 =	simm.s32 $0x1BFF;
	s21 =	sshll.u32 s5, $0x1;
	s3 =	sadd.s32 s20, s19  }
0x9c: {  	s22 =	simm.s32 $0x0;
	s4 =	sshll.u32 s4, $0x1;
	s5 =	sadd.s32 s21, s3  }
0x9d: {  	[timem:s22], [sflag:s6] =	dma.local [hbm:s5], s4  }
0x9e: {  	_ =	swait.ge [sflag:s6], s4  }
0x9f: {  	s4 =	ssub.s32 $0x0, s4;
	[sflag:s6] =	ssyncset.done $0x0  }
0xa0: {  	[sflag:s6] =	ssyncadd.s32 s4;
	_ =	sdelay $0x1  }
0xa1: {  	s23 =	simm.s32 $0x1B8B  }
0xa2: {  	_ =	swait.ge [sflag:s23], $0x1  }
0xa3: {  	[sflag:s23] =	ssyncset.done $0x0  }
0xa4: {  	[sflag:s23] =	ssyncadd.s32 $0xFFFFFFFF  }
0xa5: {  	s4 =	sld [smem:$0x0]  }
0xa6: {  	s5 =	sand.u32 $0xFFFFFFFE, s1  }
0xa7: {  	p0 =	sne.s32 s1, s5  }
0xa8: {  	s5 =	sshll.u32 @p0 s5, $0xE  }
0xa9: {  	s5 =	sadd.s32 @p0 $0x11B8D, s5;
	s6 =	sshll.u32 @p0 s4, $0x11  }
0xaa: {  	s5 =	sor.u32 @p0 s6, s5  }
0xab: {  	[sflag:s5] =	ssyncadd.remote.s32 @p0 $0x1;
	_ =	sdelay $0x1  }
0xac: {  	s5 =	simm.s32 @p0 $0x1B8D  }
0xad: {  	_ =	swait.eq @p0 [sflag:s5], $0x1  }
0xae: {  	[sflag:s5] =	ssyncadd.s32 @p0 $0xFFFFFFFF  }
0xaf: {  	s6 =	sshll.u32 @!p0 s1, $0xE  }
0xb0: {  	s6 =	sor.u32 @!p0 $0x4000, s6;
	s5 =	simm.s32 @!p0 $0x1B8D  }
0xb1: {  	s4 =	sshll.u32 @!p0 s4, $0x11;
	s6 =	sadd.s32 @!p0 $0x11B8D, s6;
	_ =	swait.eq @!p0 [sflag:s5], $0x1  }
0xb2: {  	s4 =	sor.u32 @!p0 s4, s6;
	[sflag:s5] =	ssyncadd.s32 @!p0 $0xFFFFFFFF  }
0xb3: {  	s25 =	simm.s32 $0x1B8E;
	s24 =	sld [smem:$0x3FFE];
	[sflag:s4] =	ssyncadd.remote.s32 @!p0 $0x1  }
0xb4: {  	s26 =	simm.s32 $execute0_lowered;
	[smem:$0x3FD2] =	sst s25  }
0xb5: {  	s5 =	sshll.u32 s26, $0x1;
	_ =	strace $0x80000049;
	[dreg:$0x1] =	wrdreg $0xFFFFFFFF  }
0xb6: {  	s28 =	simm.s32 $_size_execute0_lowered;
	s3 =	sadd.s32 s3, s5;
	[dreg:$0x0] =	wrdreg $0x0  }
0xb7: {  	s5 =	sshll.u32 s28, $0x1;
	[dreg:$0x2] =	wrdreg s3  }
0xb8: {  	[dreg:$0x3] =	wrdreg s5  }
0xb9: {  	[dreg:$0x4] =	wrdreg $0xC0  }
0xba: {  	_ =	task [dreg:s22], $0x5FFFF  }
0xbb: {  	[dreg:$0x1] =	wrdreg $0xFFFFFFFF  }
0xbc: {  	[dreg:$0x0] =	wrdreg $0x60  }
0xbd: {  	[dreg:$0x2] =	wrdreg s24  }
0xbe: {  	[dreg:$0x3] =	wrdreg $0x0  }
0xbf: {  	[dreg:$0x4] =	wrdreg $0x9  }
0xc0: {  	_ =	task.clear_ibuf [dreg:s22], $0x5FFFF;
	_ =	strace $0x90000049  }
0xc1: {  	s29 =	simm.s32 $0x9;
	_ =	strace $0x8000004B  }
0xc2: {  	_ =	swait.ge [sflag:s29], $0x1  }
0xc3: {  	[sflag:s29] =	ssyncadd.s32 $0xFFFFFFFF  }
0xc4: {  	_ =	strace $0x9000004B  }
0xc5: {  	_ =	sfence  }
0xc6: {  	s30 =	sld [smem:$0x0];
	_ =	sdelay $0x2  }
0xc7: {  	s31 =	sshll.u32 s1, $0xD;
	s1 =	sshrl.u32 s1, $0x2  }
0xc8: {  	s4 =	sand.u32 $0x4000, s31;
	s1 =	sadd.s32 s1, s30  }
0xc9: {  	s0 =	sor.u32 s4, s0;
	s1 =	sshll.u32 s1, $0x11  }
0xca: {  	s0 =	sor.u32 s1, s0  }
0xcb: {  	s0 =	sadd.s32 $0x8F2B, s0  }
0xcc: {  	[sflag:s0] =	ssyncadd.remote.s32 $0x1  }
0xcd: {  	_ =	sfence.sel $0xFFFF  }
0xce: {  	[dreg:$0x0] =	wrdreg $0xFFFFFFFF;
	(pc) =	sbr.abs _section_cstart, $3  }
0xcf: {  	[dreg:$0x1] =	wrdreg $0xFFFFFFFF  }
0xd0: {  	_ =	task.clear_ibuf [dreg:s22], $0x2FFFF;
	_ =	strace $0x9FFFFFFF  }
0xd1: {  	(tm) =	ssettm $0x7FFFFFFF  }
tec
execute0_lowered:
.L_overlay_start_1:
0x0: {  	(tag) =	ssettag $0x1  }
0x1: {  	s4 =	rddreg [dreg:$0x0]  }
0x2: {  	s2 =	rddreg [dreg:$0x1]  }
0x3: {  	s0 =	rddreg [dreg:$0x2]  }
0x4: {  	s5 =	srdreg.scid;
	s1 =	stileid.u32;
	s3 =	simm.s32 $0x0  }
0x5: {  	s16 =	simm.s32 $0x14000;
	s17 =	simm.s32 $0x14080;
	s6 =	smul.u32 $0x2800, s1  }
0x6: {  	s18 =	simm.s32 $0x80;
	s20 =	simm.s32 $0x0;
	s25 =	smul.u32 $0x50000, s1  }
0x7: {  	s5 =	sand.u32 $0x1, s5;
	[smem:$0x7FF] =	sst s3;
	s14 =	smul.u32 $0x2780, s1  }
0x8: {  	s13 =	sadd.s32 $0x2000, s4;
	s19 =	sshll.u32 s1, $0x6;
	s7 =	smul.u32 $0x28000, s5  }
0x9: {  	_ =	strace $0x8000004A;
	s8 =	sshll.u32 s5, $0x4;
	s26 =	ssub.s32 $0x2, s5  }
0xa: {  	s12 =	smul.u32 $0x27800, s5;
	s19 =	sor.u32 $0x1C01, s19;
	s28 =	sor.u32 s1, s8  }
0xb: {  	s29 =	sshrl.u32 s26, $0x1;
	s6 =	sadd.s32 s6, s7;
	s7 =	sshrl.u32 s25, $0x2  }
0xc: {  	s11 =	ssub.s32 s26, s29;
	s12 =	sadd.s32 s14, s12;
	s10 =	sadd.s32 s6, s4  }
0xd: {  	s6 =	smul.u32 $0x2780, s28;
	s4 =	sadd.s32 s7, s2;
	s14 =	sshrl.u32 s12, $0x3  }
0xe: {  	s15 =	sadd.s32 $0x80, s12;
	s11 =	smax.u32 s11, $0x1;
	s5 =	sadd.s32 $0x4000, s4  }
0xf: {  	s7 =	sadd.s32 $0xC000, s4;
	s8 =	sadd.s32 $0x10000, s4;
	s10 =	sadd.s32 $0x65C00, s10  }
0x10: {  	s12 =	sadd.s32 s14, s13;
	s31 =	sshrl.u32 s15, $0x3;
	s30 =	sshrl.u32 s6, $0x3  }
0x11: {  	s14 =	simm.s32 $0x14100;
	s15 =	simm.s32 $0x1;
	s9 =	sadd.s32 s13, s30  }
0x12: {  	v0 =	vimm.f32 $0.0e+00;
	v1 =	vimm.f32 $1.000000000e+00;
	s6 =	sadd.s32 $0x8000, s4;
	s13 =	sadd.s32 s31, s13;
	s9 =	sadd.s32 $0x4E0, s9  }
.LBB2_1:
0x13: {  	s21 =	simm.s32 $0x0;
	s22 =	simm.s32 $0x200  }
.LBB2_2:
0x14: {  	p0 =	sne.s32 s22, $0xFE00;
	[tilespmem:s21+$0x14170] =	vst v0  }
0x15: {  	[tilespmem:s21+$0x14100] =	vst v0  }
0x16: {  	[tilespmem:s21+$0x14110] =	vst v0  }
.Ltmp0:
0x17: {  	[tilespmem:s21+$0x14120] =	vst v0;
	(pc) =	sbr.rel @p0 .LBB2_2-.Ltmp0, $4  }
0x18: {  	[tilespmem:s21+$0x14130] =	vst v0  }
0x19: {  	[tilespmem:s21+$0x14140] =	vst v0  }
0x1a: {  	[tilespmem:s21+$0x14150] =	vst v0  }
0x1b: {  	[tilespmem:s21+$0x14160] =	vst v0;
	s21 =	sshra.s32 s22, $0x2;
	s22 =	sadd.s32 $0x200, s22  }
0x1c: {  	[tilespmem:s21+$0x14170] =	vst v0  }
0x1d: {  	[tilespmem:s21+$0x14100] =	vst v0  }
0x1e: {  	[tilespmem:s21+$0x14110] =	vst v0  }
0x1f: {  	[tilespmem:s21+$0x14120] =	vst v0  }
0x20: {  	[tilespmem:s21+$0x14130] =	vst v0  }
0x21: {  	[tilespmem:s21+$0x14140] =	vst v0  }
0x22: {  	[tilespmem:s21+$0x14150] =	vst v0  }
0x23: {  	[tilespmem:s21+$0x14160] =	vst v0  }
0x24: {  	[spmem:s4] =	stream.linear.scatter [tilespmem:s14], [sflag:$0x1], $0x4000, $0x38;
	[tilespmem:$0x18100] =	vst v63  }
0x25: {  	_ =	swait.ge [sflag:s15], $0x4000  }
0x26: {  	[sflag:s15] =	ssyncset.done $0x0  }
0x27: {  	[sflag:s15] =	ssyncadd.s32 $0xFFFFC000  }
0x28: {  	[spmem:s5] =	stream.linear.scatter [tilespmem:s14], [sflag:$0x1], $0x4000, $0x38;
	[tilespmem:$0x18100] =	vst v63  }
0x29: {  	_ =	swait.ge [sflag:s15], $0x4000  }
0x2a: {  	[sflag:s15] =	ssyncset.done $0x0  }
0x2b: {  	[sflag:s15] =	ssyncadd.s32 $0xFFFFC000  }
0x2c: {  	[spmem:s6] =	stream.linear.scatter [tilespmem:s14], [sflag:$0x1], $0x4000, $0x38;
	[tilespmem:$0x18100] =	vst v63  }
0x2d: {  	_ =	swait.ge [sflag:s15], $0x4000  }
0x2e: {  	[sflag:s15] =	ssyncset.done $0x0  }
0x2f: {  	[sflag:s15] =	ssyncadd.s32 $0xFFFFC000  }
0x30: {  	[spmem:s7] =	stream.linear.scatter [tilespmem:s14], [sflag:$0x1], $0x4000, $0x38;
	[tilespmem:$0x18100] =	vst v63  }
0x31: {  	_ =	swait.ge [sflag:s15], $0x4000  }
0x32: {  	[sflag:s15] =	ssyncset.done $0x0  }
0x33: {  	[sflag:s15] =	ssyncadd.s32 $0xFFFFC000  }
0x34: {  	[spmem:s8] =	stream.linear.scatter [tilespmem:s14], [sflag:$0x1], $0x4000, $0x38;
	[tilespmem:$0x18100] =	vst v63  }
0x35: {  	_ =	swait.ge [sflag:s15], $0x4000  }
0x36: {  	[sflag:s15] =	ssyncset.done $0x0  }
0x37: {  	s21 =	simm.s32 $0x0;
	s22 =	simm.s32 $0x200;
	[sflag:s15] =	ssyncadd.s32 $0xFFFFC000  }
.LBB2_4:
0x38: {  	p0 =	sne.s32 s22, $0xFE00;
	[tilespmem:s21+$0x14170] =	vst v1  }
0x39: {  	[tilespmem:s21+$0x14100] =	vst v1  }
0x3a: {  	[tilespmem:s21+$0x14110] =	vst v1  }
.Ltmp1:
0x3b: {  	[tilespmem:s21+$0x14120] =	vst v1;
	(pc) =	sbr.rel @p0 .LBB2_4-.Ltmp1, $4  }
0x3c: {  	[tilespmem:s21+$0x14130] =	vst v1  }
0x3d: {  	[tilespmem:s21+$0x14140] =	vst v1  }
0x3e: {  	[tilespmem:s21+$0x14150] =	vst v1  }
0x3f: {  	[tilespmem:s21+$0x14160] =	vst v1;
	s21 =	sshra.s32 s22, $0x2;
	s22 =	sadd.s32 $0x200, s22  }
0x40: {  	[tilespmem:s21+$0x14170] =	vst v1  }
0x41: {  	[tilespmem:s21+$0x14100] =	vst v1  }
0x42: {  	[tilespmem:s21+$0x14110] =	vst v1  }
0x43: {  	[tilespmem:s21+$0x14120] =	vst v1  }
0x44: {  	[tilespmem:s21+$0x14130] =	vst v1  }
0x45: {  	[tilespmem:s21+$0x14140] =	vst v1  }
0x46: {  	[tilespmem:s21+$0x14150] =	vst v1  }
0x47: {  	[tilespmem:s21+$0x14160] =	vst v1  }
0x48: {  	s30 =	sadd.s32 $0x0, s12;
	[bflag:$0x0] =	sbarrier.arrive $0xFFFF  }
0x49: {  	[tilespmem:s16], [sflag:$0x1] =	stream.linear.gather [hbm4b:s30+s3], $0x80, $0x38;
	[tilespmem:$0x18100] =	vst v63  }
0x4a: {  	_ =	swait.ge [sflag:s15], $0x80  }
0x4b: {  	[sflag:s15] =	ssyncset.done $0x0  }
0x4c: {  	s31 =	sadd.s32 $0x0, s13;
	[sflag:s15] =	ssyncadd.s32 $0xFFFFFF80  }
0x4d: {  	[tilespmem:s17], [sflag:$0x1] =	stream.linear.gather [hbm4b:s31+s3], $0x80, $0x38;
	[tilespmem:$0x18100] =	vst v63  }
0x4e: {  	_ =	swait.ge [sflag:s15], $0x80  }
0x4f: {  	[sflag:s15] =	ssyncset.done $0x0  }
0x50: {  	[sflag:s15] =	ssyncadd.s32 $0xFFFFFF80  }
0x51: {  	[spmem:s2] =	stream.indirect.scatter.add.f32 [tilespmem:s14], [sflag:$0x1], $0x80, s16, s18, $0xb8;
	[tilespmem:$0x18100] =	vst v63  }
0x52: {  	_ =	swait.ge [sflag:s15], $0x4000  }
0x53: {  	[sflag:s15] =	ssyncset.done $0x0  }
0x54: {  	[sflag:s15] =	ssyncadd.s32 $0xFFFFC000  }
0x55: {  	[spmem:s2] =	stream.indirect.scatter.add.f32 [tilespmem:s14], [sflag:$0x1], $0x80, s17, s18, $0xb8;
	[tilespmem:$0x18100] =	vst v63  }
0x56: {  	_ =	swait.ge [sflag:s15], $0x4000  }
0x57: {  	s21 =	simm.s32 $0x20;
	s22 =	simm.s32 $0x40;
	[sflag:s15] =	ssyncset.done $0x0  }
.LBB2_6:
0x58: {  	s23 =	sadd.s32 s21, s12  }
0x59: {  	[sflag:s15] =	ssyncadd.s32 $0xFFFFC000;
	s24 =	smov.u32 s22;
	s25 =	sadd.s32 $0x20, s22  }
0x5a: {  	[tilespmem:s16], [sflag:$0x1] =	stream.linear.gather [hbm4b:s23+s3], $0x80, $0x38;
	[tilespmem:$0x18100] =	vst v63  }
0x5b: {  	p0 =	sne.s32 s22, $0x4C0;
	_ =	swait.ge [sflag:s15], $0x80  }
0x5c: {  	[sflag:s15] =	ssyncset.done $0x0  }
0x5d: {  	s22 =	sadd.s32 s21, s13;
	s21 =	smov.u32 s24;
	[sflag:s15] =	ssyncadd.s32 $0xFFFFFF80  }
0x5e: {  	[tilespmem:s17], [sflag:$0x1] =	stream.linear.gather [hbm4b:s22+s3], $0x80, $0x38;
	[tilespmem:$0x18100] =	vst v63  }
0x5f: {  	_ =	swait.ge [sflag:s15], $0x80  }
0x60: {  	[sflag:s15] =	ssyncset.done $0x0  }
0x61: {  	[sflag:s15] =	ssyncadd.s32 $0xFFFFFF80  }
0x62: {  	[spmem:s2] =	stream.indirect.scatter.add.f32 [tilespmem:s14], [sflag:$0x1], $0x80, s16, s18, $0xb8;
	[tilespmem:$0x18100] =	vst v63  }
0x63: {  	_ =	swait.ge [sflag:s15], $0x4000  }
.Ltmp2:
0x64: {  	[sflag:s15] =	ssyncset.done $0x0;
	(pc) =	sbr.rel @p0 .LBB2_6-.Ltmp2, $4  }
0x65: {  	[sflag:s15] =	ssyncadd.s32 $0xFFFFC000  }
0x66: {  	[spmem:s2] =	stream.indirect.scatter.add.f32 [tilespmem:s14], [sflag:$0x1], $0x80, s17, s18, $0xb8;
	[tilespmem:$0x18100] =	vst v63  }
0x67: {  	_ =	swait.ge [sflag:s15], $0x4000  }
0x68: {  	s22 =	smov.u32 s25;
	[sflag:s15] =	ssyncset.done $0x0  }
0x69: {  	s22 =	sadd.s32 s21, s12;
	[sflag:s15] =	ssyncadd.s32 $0xFFFFC000  }
0x6a: {  	[tilespmem:s16], [sflag:$0x1] =	stream.linear.gather [hbm4b:s22+s3], $0x80, $0x38;
	[tilespmem:$0x18100] =	vst v63  }
0x6b: {  	_ =	swait.ge [sflag:s15], $0x80  }
0x6c: {  	[sflag:s15] =	ssyncset.done $0x0  }
0x6d: {  	s30 =	sadd.s32 s21, s13;
	[sflag:s15] =	ssyncadd.s32 $0xFFFFFF80  }
0x6e: {  	[tilespmem:s17], [sflag:$0x1] =	stream.linear.gather [hbm4b:s30+s3], $0x80, $0x38;
	[tilespmem:$0x18100] =	vst v63  }
0x6f: {  	_ =	swait.ge [sflag:s15], $0x80  }
0x70: {  	[sflag:s15] =	ssyncset.done $0x0  }
0x71: {  	[sflag:s15] =	ssyncadd.s32 $0xFFFFFF80  }
0x72: {  	[spmem:s2] =	stream.indirect.scatter.add.f32 [tilespmem:s14], [sflag:$0x1], $0x80, s16, s18, $0xb8;
	[tilespmem:$0x18100] =	vst v63  }
0x73: {  	_ =	swait.ge [sflag:s15], $0x4000  }
0x74: {  	[sflag:s15] =	ssyncset.done $0x0  }
0x75: {  	[sflag:s15] =	ssyncadd.s32 $0xFFFFC000  }
0x76: {  	[spmem:s2] =	stream.indirect.scatter.add.f32 [tilespmem:s14], [sflag:$0x1], $0x80, s17, s18, $0xb8;
	[tilespmem:$0x18100] =	vst v63  }
0x77: {  	_ =	swait.ge [sflag:s15], $0x4000  }
0x78: {  	[sflag:s15] =	ssyncset.done $0x0  }
0x79: {  	[sflag:s15] =	ssyncadd.s32 $0xFFFFC000  }
0x7a: {  	[tilespmem:s16], [sflag:$0x1] =	stream.linear.gather [hbm4b:s9+s3], $0x80, $0x38;
	[tilespmem:$0x18100] =	vst v63  }
0x7b: {  	_ =	swait.ge [sflag:s15], $0x80  }
0x7c: {  	[sflag:s15] =	ssyncset.done $0x0  }
0x7d: {  	[sflag:s15] =	ssyncadd.s32 $0xFFFFFF80  }
0x7e: {  	[spmem:s2] =	stream.indirect.scatter.add.f32 [tilespmem:s14], [sflag:$0x1], $0x80, s16, s18, $0xb8;
	[tilespmem:$0x18100] =	vst v63  }
0x7f: {  	_ =	swait.ge [sflag:s15], $0x4000  }
0x80: {  	s20 =	sadd.s32 $0x1, s20;
	[sflag:s15] =	ssyncset.done $0x0  }
0x81: {  	p0 =	sne.s32 s20, s11;
	[sflag:s15] =	ssyncadd.s32 $0xFFFFC000  }
.Ltmp3:
0x82: {  	s31 =	sshrl.u32 s4, $0x3;
	[bflag:$0x0] =	sbarrier.arrive $0xFFFF;
	(pc) =	sbr.rel @p0 .LBB2_1-.Ltmp3, $4  }
0x83: {  	[hbm:s10], [sflag:s19] =	dma.local [spmem:s31], $0x2800  }
0x84: {  	_ =	swait.ge [sflag:s15], $0x2800  }
0x85: {  	[sflag:s15] =	ssyncset.done $0x0  }
0x86: {  	[sflag:s15] =	ssyncadd.s32 $0xFFFFD800  }
0x87: {  	_ =	sfence.sel $0x180000  }
0x88: {  	[bflag:$0x0] =	sbarrier.arrive $0xFFFF  }
0x89: {  	p0 =	sne.s32 s1, $0x0;
	_ =	strace $0x9000004A  }
0x8a: {  	s0 =	sadd.s32 @!p0 $0x100000, s0;
	[bflag:$0x2] =	sbarrier.arrive $0xFFFF  }
0x8b: {  	[sflag:s0] =	ssyncadd.tile.s32 @!p0 $0x1;
	_ =	shalt  }
.Lfunc_end2:
_tile_overlayer_lowered:
.L_overlay_start_2:
0x8c: {  	(tag) =	ssettag $0x2  }
0x8d: {  	s0 =	rddreg [dreg:$0x0];
	s2 =	stileid.u32  }
0x8e: {  	s1 =	rddreg [dreg:$0x1];
	p0 =	sne.s32 s2, $0x0  }
0x8f: {  	s3 =	rddreg [dreg:$0x2];
	[bflag:$0x3] =	sbarrier.arrive $0xFFFF;
	s2 =	simm.s32 @!p0 $0x1C01  }
0x90: {  	[timem:s3], [sflag:s2] =	dma.local @!p0 [hbm:s0], s1  }
0x91: {  	s0 =	simm.s32 @!p0 $0x1  }
0x92: {  	_ =	swait.ge @!p0 [sflag:s0], s1  }
0x93: {  	s1 =	ssub.s32 @!p0 $0x0, s1;
	[sflag:s0] =	ssyncset.done @!p0 $0x0  }
0x94: {  	[sflag:s0] =	ssyncadd.s32 @!p0 s1  }
0x95: {  	[bflag:$0x3] =	sbarrier.arrive $0xFFFF  }
0x96: {  	_ =	shalt  }

</sc_bundles>
